<compile_context>
chip_gen: v7x
topology: tpu7x:2x2x1
jax: 0.10.2.dev20260603
libtpu: 0.0.44.dev20260713+nightly
codegen_flags: <defaults>
</compile_context>

<pallas_src>
import functools

import jax
import jax.numpy as jnp
from jax import lax
from jax.experimental import pallas as pl
from jax.experimental.pallas import tpu as pltpu
from jax.experimental.pallas import tpu_sc as plsc

D = 128
N_WORKERS = 32
CHUNK = 128
NBUF = 5
LA = 3


def _emb_kernel(n_total):
    per_w = n_total // N_WORKERS
    n_chunks = per_w // CHUNK
    mesh = plsc.VectorSubcoreMesh(core_axis_name="c", subcore_axis_name="s")

    @functools.partial(
        pl.kernel,
        mesh=mesh,
        out_type=jax.ShapeDtypeStruct((n_total, D), jnp.float32),
        scratch_types=[
            pltpu.VMEM((n_chunks, CHUNK), jnp.int32),
            pltpu.VMEM((NBUF, CHUNK, D), jnp.float32),
            pltpu.SemaphoreType.DMA,
            pltpu.SemaphoreType.DMA,
            pltpu.SemaphoreType.DMA,
            pltpu.SemaphoreType.DMA,
            pltpu.SemaphoreType.DMA,
            pltpu.SemaphoreType.DMA,
            pltpu.SemaphoreType.DMA,
            pltpu.SemaphoreType.DMA,
            pltpu.SemaphoreType.DMA,
            pltpu.SemaphoreType.DMA,
        ],
    )
    def k(idx_hbm, tbl_hbm, out_hbm, idx_v, rows_v,
          g0, g1, g2, g3, g4, s0, s1, s2, s3, s4):
        gsem = (g0, g1, g2, g3, g4)
        ssem = (s0, s1, s2, s3, s4)
        wid = lax.axis_index("s") * 2 + lax.axis_index("c")
        base = wid * per_w

        pltpu.sync_copy(idx_hbm.at[wid], idx_v)

        def start_gather(c, b):
            pltpu.async_copy(tbl_hbm.at[idx_v.at[c]], rows_v.at[b], gsem[b])

        for c in range(LA):
            start_gather(c, c % NBUF)

        def body(g, carry):
            for b in range(NBUF):
                c = g * NBUF + b
                pltpu.make_async_copy(
                    tbl_hbm.at[idx_v.at[c]], rows_v.at[b], gsem[b]
                ).wait()
                out_slc = out_hbm.at[pl.ds(base + c * CHUNK, CHUNK)]
                pltpu.async_copy(rows_v.at[b], out_slc, ssem[b])

                nb = (b + LA) % NBUF

                @pl.when(c + LA < n_chunks)
                def _():
                    pc = c + LA - NBUF
                    @pl.when(pc >= 0)
                    def _():
                        prev = out_hbm.at[pl.ds(base + pc * CHUNK, CHUNK)]
                        pltpu.make_async_copy(
                            rows_v.at[nb], prev, ssem[nb]
                        ).wait()
                    start_gather(c + LA, nb)

            return carry

        lax.fori_loop(0, n_chunks // NBUF, body, 0)

        for c in range(n_chunks - NBUF, n_chunks):
            b = c % NBUF
            out_slc = out_hbm.at[pl.ds(base + c * CHUNK, CHUNK)]
            pltpu.make_async_copy(rows_v.at[b], out_slc, ssem[b]).wait()

    return k


def kernel(x, weight):
    b, s = x.shape
    n_total = b * s
    per_w = n_total // N_WORKERS
    idx = x.reshape(N_WORKERS, per_w // CHUNK, CHUNK).astype(jnp.int32)
    out = _emb_kernel(n_total)(idx, weight)
    return out.reshape(b, s, weight.shape[1])

# --- scband reference (transcript-rebuilt; emitter-appended) ---
"""Pipeline reference for scband-embedding-43808666419514 (READ-ONLY COPY).

The authoritative reference and input builder live on the scoring server;
editing this copy changes nothing except your own understanding.
"""

import jax, jax.numpy as jnp
import numpy as np

VOCAB = 100000
D_MODEL = 128
BATCH = 4096
SEQ = 200

def setup_inputs(seed: int = 0) -> dict:
    key = jax.random.key(seed)
    k_idx, k_w = jax.random.split(key)
    x = jax.random.randint(k_idx, (BATCH, SEQ), 0, VOCAB, dtype=jnp.int64 if jax.config.jax_enable_x64 else jnp.int32)
    sigma = 1.0 / (D_MODEL ** 0.5)
    weight = jnp.clip(sigma * jax.random.truncated_normal(k_w, -3.0, 3.0, (VOCAB, D_MODEL), dtype=jnp.float32), -3 * sigma, 3 * sigma)
    return {"x": x, "weight": weight}

def reference(x, weight):
    # torch.nn.functional.embedding(x, weight) == gather rows
    return jnp.take(weight, x, axis=0)

if __name__ == "__main__":
    import jax
    _d = setup_inputs()
    print(jax.jit(kernel)(*tuple(_d.values())))

</pallas_src>

<mosaic_0001>
#map = affine_map<(d0, d1) -> (0, 0, 0)>
#map1 = affine_map<(d0, d1) -> (0, 0)>
module attributes {stable_mosaic.version = 14 : i64} {
  func.func @k(%arg0: i32, %arg1: i32, %arg2: memref<32x200x128xi32, #tpu.memory_space<hbm>>, %arg3: memref<100000x128xf32, #tpu.memory_space<hbm>>, %arg4: memref<819200x128xf32, #tpu.memory_space<hbm>>, %arg5: memref<200x128xi32, #tpu.memory_space<vmem>>, %arg6: memref<5x128x128xf32, #tpu.memory_space<vmem>>, %arg7: memref<!tpu.dma_semaphore, #tpu.memory_space<semaphore_mem>>, %arg8: memref<!tpu.dma_semaphore, #tpu.memory_space<semaphore_mem>>, %arg9: memref<!tpu.dma_semaphore, #tpu.memory_space<semaphore_mem>>, %arg10: memref<!tpu.dma_semaphore, #tpu.memory_space<semaphore_mem>>, %arg11: memref<!tpu.dma_semaphore, #tpu.memory_space<semaphore_mem>>, %arg12: memref<!tpu.dma_semaphore, #tpu.memory_space<semaphore_mem>>, %arg13: memref<!tpu.dma_semaphore, #tpu.memory_space<semaphore_mem>>, %arg14: memref<!tpu.dma_semaphore, #tpu.memory_space<semaphore_mem>>, %arg15: memref<!tpu.dma_semaphore, #tpu.memory_space<semaphore_mem>>, %arg16: memref<!tpu.dma_semaphore, #tpu.memory_space<semaphore_mem>>) attributes {dimension_semantics = [#tpu.dimension_semantics<core_parallel>, #tpu.dimension_semantics<subcore_parallel>], iteration_bounds = array<i64: 2, 16>, scalar_prefetch = 0 : i64, scratch_operands = 12 : i64, tpu.core_type = #tpu.core_type<sc_vector_subcore>, window_params = [{transform_indices = #map}, {transform_indices = #map1}, {transform_indices = #map1}]} {
    %mul3A = arith.constant 2 : i32
    %mul3A_0 = arith.muli %arg1, %mul3A : i32
    %add3A = arith.addi %mul3A_0, %arg0 : i32
    %mul3A_1 = arith.constant 25600 : i32
    %mul3A_2 = arith.muli %add3A, %mul3A_1 : i32
    "tpu.region"() ({
      %run_scoped3A = tpu.sem_alloc : memref<!tpu.dma_semaphore, #tpu.memory_space<semaphore_mem>>
      %dma_start3A_117 = arith.constant 0 : i32
      %dma_start3A_118 = arith.constant 0 : i32
      %dma_start3A_119 = tpu.memref_slice %arg2[%add3A, %dma_start3A_117, %dma_start3A_118] : memref<32x200x128xi32, #tpu.memory_space<hbm>> -> memref<1x200x128xi32, #tpu.memory_space<hbm>>
      %dma_start3A_120 = tpu.memref_squeeze %dma_start3A_119 : memref<1x200x128xi32, #tpu.memory_space<hbm>> -> memref<200x128xi32, #tpu.memory_space<hbm>>
      %dma_start3A_121 = arith.constant 0 : i32
      %dma_start3A_122 = arith.constant 0 : i32
      %dma_start3A_123 = tpu.memref_slice %arg2[%add3A, %dma_start3A_121, %dma_start3A_122] : memref<32x200x128xi32, #tpu.memory_space<hbm>> -> memref<1x200x128xi32, #tpu.memory_space<hbm>>
      %dma_start3A_124 = tpu.memref_squeeze %dma_start3A_123 : memref<1x200x128xi32, #tpu.memory_space<hbm>> -> memref<200x128xi32, #tpu.memory_space<hbm>>
      tpu.enqueue_dma source(%dma_start3A_124 : memref<200x128xi32, #tpu.memory_space<hbm>>) target(%arg5 : memref<200x128xi32, #tpu.memory_space<vmem>>) target_semaphore(%run_scoped3A : memref<!tpu.dma_semaphore, #tpu.memory_space<semaphore_mem>>)
      %dma_wait3A_125 = arith.constant 0 : i32
      %dma_wait3A_126 = arith.constant 0 : i32
      %dma_wait3A_127 = tpu.memref_slice %arg2[%add3A, %dma_wait3A_125, %dma_wait3A_126] : memref<32x200x128xi32, #tpu.memory_space<hbm>> -> memref<1x200x128xi32, #tpu.memory_space<hbm>>
      %dma_wait3A_128 = tpu.memref_squeeze %dma_wait3A_127 : memref<1x200x128xi32, #tpu.memory_space<hbm>> -> memref<200x128xi32, #tpu.memory_space<hbm>>
      %dma_wait3A_129 = arith.constant 0 : i32
      %dma_wait3A_130 = arith.constant 0 : i32
      %dma_wait3A_131 = tpu.memref_slice %arg2[%add3A, %dma_wait3A_129, %dma_wait3A_130] : memref<32x200x128xi32, #tpu.memory_space<hbm>> -> memref<1x200x128xi32, #tpu.memory_space<hbm>>
      %dma_wait3A_132 = tpu.memref_squeeze %dma_wait3A_131 : memref<1x200x128xi32, #tpu.memory_space<hbm>> -> memref<200x128xi32, #tpu.memory_space<hbm>>
      tpu.wait_dma2 semaphore(%run_scoped3A : memref<!tpu.dma_semaphore, #tpu.memory_space<semaphore_mem>>) src(%dma_wait3A_132 : memref<200x128xi32, #tpu.memory_space<hbm>>) dst(%arg5 : memref<200x128xi32, #tpu.memory_space<vmem>>)
      tpu.yield
    }) : () -> ()
    %dma_start3A = arith.constant 0 : i32
    %dma_start3A_3 = arith.constant 0 : i32
    %dma_start3A_4 = arith.constant 0 : i32
    %dma_start3A_5 = arith.constant 0 : i32
    %dma_start3A_6 = tpu.memref_slice %arg6[%dma_start3A_3, %dma_start3A_4, %dma_start3A_5] : memref<5x128x128xf32, #tpu.memory_space<vmem>> -> memref<1x128x128xf32, #tpu.memory_space<vmem>>
    %dma_start3A_7 = tpu.memref_squeeze %dma_start3A_6 : memref<1x128x128xf32, #tpu.memory_space<vmem>> -> memref<128x128xf32, #tpu.memory_space<vmem>>
    %dma_start3A_8 = arith.constant 0 : i32
    %dma_start3A_9 = tpu.memref_slice %arg5[%dma_start3A, %dma_start3A_8] : memref<200x128xi32, #tpu.memory_space<vmem>> -> memref<1x128xi32, #tpu.memory_space<vmem>>
    %dma_start3A_10 = tpu.memref_squeeze %dma_start3A_9 : memref<1x128xi32, #tpu.memory_space<vmem>> -> memref<128xi32, #tpu.memory_space<vmem>>
    %dma_start3A_11 = arith.constant 0 : i32
    %dma_start3A_12 = arith.constant 0 : i32
    %dma_start3A_13 = tpu.memref_slice %arg3[%dma_start3A_11, %dma_start3A_12] : memref<100000x128xf32, #tpu.memory_space<hbm>> -> memref<100000x128xf32, #tpu.memory_space<hbm>>
    tpu.enqueue_indirect_dma source(%dma_start3A_13 : memref<100000x128xf32, #tpu.memory_space<hbm>>) target(%dma_start3A_7 : memref<128x128xf32, #tpu.memory_space<vmem>>) offsets(%dma_start3A_10 : memref<128xi32, #tpu.memory_space<vmem>>) semaphore(%arg7 : memref<!tpu.dma_semaphore, #tpu.memory_space<semaphore_mem>>)
    %dma_start3A_14 = arith.constant 1 : i32
    %dma_start3A_15 = arith.constant 1 : i32
    %dma_start3A_16 = arith.constant 0 : i32
    %dma_start3A_17 = arith.constant 0 : i32
    %dma_start3A_18 = tpu.memref_slice %arg6[%dma_start3A_15, %dma_start3A_16, %dma_start3A_17] : memref<5x128x128xf32, #tpu.memory_space<vmem>> -> memref<1x128x128xf32, #tpu.memory_space<vmem>>
    %dma_start3A_19 = tpu.memref_squeeze %dma_start3A_18 : memref<1x128x128xf32, #tpu.memory_space<vmem>> -> memref<128x128xf32, #tpu.memory_space<vmem>>
    %dma_start3A_20 = arith.constant 0 : i32
    %dma_start3A_21 = tpu.memref_slice %arg5[%dma_start3A_14, %dma_start3A_20] : memref<200x128xi32, #tpu.memory_space<vmem>> -> memref<1x128xi32, #tpu.memory_space<vmem>>
    %dma_start3A_22 = tpu.memref_squeeze %dma_start3A_21 : memref<1x128xi32, #tpu.memory_space<vmem>> -> memref<128xi32, #tpu.memory_space<vmem>>
    %dma_start3A_23 = arith.constant 0 : i32
    %dma_start3A_24 = arith.constant 0 : i32
    %dma_start3A_25 = tpu.memref_slice %arg3[%dma_start3A_23, %dma_start3A_24] : memref<100000x128xf32, #tpu.memory_space<hbm>> -> memref<100000x128xf32, #tpu.memory_space<hbm>>
    tpu.enqueue_indirect_dma source(%dma_start3A_25 : memref<100000x128xf32, #tpu.memory_space<hbm>>) target(%dma_start3A_19 : memref<128x128xf32, #tpu.memory_space<vmem>>) offsets(%dma_start3A_22 : memref<128xi32, #tpu.memory_space<vmem>>) semaphore(%arg8 : memref<!tpu.dma_semaphore, #tpu.memory_space<semaphore_mem>>)
    %dma_start3A_26 = arith.constant 2 : i32
    %dma_start3A_27 = arith.constant 2 : i32
    %dma_start3A_28 = arith.constant 0 : i32
    %dma_start3A_29 = arith.constant 0 : i32
    %dma_start3A_30 = tpu.memref_slice %arg6[%dma_start3A_27, %dma_start3A_28, %dma_start3A_29] : memref<5x128x128xf32, #tpu.memory_space<vmem>> -> memref<1x128x128xf32, #tpu.memory_space<vmem>>
    %dma_start3A_31 = tpu.memref_squeeze %dma_start3A_30 : memref<1x128x128xf32, #tpu.memory_space<vmem>> -> memref<128x128xf32, #tpu.memory_space<vmem>>
    %dma_start3A_32 = arith.constant 0 : i32
    %dma_start3A_33 = tpu.memref_slice %arg5[%dma_start3A_26, %dma_start3A_32] : memref<200x128xi32, #tpu.memory_space<vmem>> -> memref<1x128xi32, #tpu.memory_space<vmem>>
    %dma_start3A_34 = tpu.memref_squeeze %dma_start3A_33 : memref<1x128xi32, #tpu.memory_space<vmem>> -> memref<128xi32, #tpu.memory_space<vmem>>
    %dma_start3A_35 = arith.constant 0 : i32
    %dma_start3A_36 = arith.constant 0 : i32
    %dma_start3A_37 = tpu.memref_slice %arg3[%dma_start3A_35, %dma_start3A_36] : memref<100000x128xf32, #tpu.memory_space<hbm>> -> memref<100000x128xf32, #tpu.memory_space<hbm>>
    tpu.enqueue_indirect_dma source(%dma_start3A_37 : memref<100000x128xf32, #tpu.memory_space<hbm>>) target(%dma_start3A_31 : memref<128x128xf32, #tpu.memory_space<vmem>>) offsets(%dma_start3A_34 : memref<128xi32, #tpu.memory_space<vmem>>) semaphore(%arg9 : memref<!tpu.dma_semaphore, #tpu.memory_space<semaphore_mem>>)
    %scan3A = arith.constant 0 : i32
    %scan3A_38 = arith.constant 0 : i32
    %scan3A_39 = arith.constant 40 : i32
    %scan3A_40 = arith.addi %scan3A_38, %scan3A_39 : i32
    %scan3A_41 = arith.constant 1 : i32
    scf.for %scan3A_117 = %scan3A_38 to %scan3A_40 step %scan3A_41  : i32 {
      %mul3A_118 = arith.constant 5 : i32
      %mul3A_119 = arith.muli %scan3A_117, %mul3A_118 : i32
      %add3A_120 = arith.constant 0 : i32
      %add3A_121 = arith.addi %mul3A_119, %add3A_120 : i32
      %dma_wait3A_122 = arith.constant 0 : i32
      %dma_wait3A_123 = arith.constant 0 : i32
      %dma_wait3A_124 = arith.constant 0 : i32
      %dma_wait3A_125 = tpu.memref_slice %arg6[%dma_wait3A_122, %dma_wait3A_123, %dma_wait3A_124] : memref<5x128x128xf32, #tpu.memory_space<vmem>> -> memref<1x128x128xf32, #tpu.memory_space<vmem>>
      %dma_wait3A_126 = tpu.memref_squeeze %dma_wait3A_125 : memref<1x128x128xf32, #tpu.memory_space<vmem>> -> memref<128x128xf32, #tpu.memory_space<vmem>>
      %dma_wait3A_127 = arith.constant 0 : i32
      %dma_wait3A_128 = tpu.memref_slice %arg5[%add3A_121, %dma_wait3A_127] : memref<200x128xi32, #tpu.memory_space<vmem>> -> memref<1x128xi32, #tpu.memory_space<vmem>>
      %dma_wait3A_129 = tpu.memref_squeeze %dma_wait3A_128 : memref<1x128xi32, #tpu.memory_space<vmem>> -> memref<128xi32, #tpu.memory_space<vmem>>
      %dma_wait3A_130 = arith.constant 0 : i32
      %dma_wait3A_131 = arith.constant 0 : i32
      %dma_wait3A_132 = tpu.memref_slice %arg3[%dma_wait3A_130, %dma_wait3A_131] : memref<100000x128xf32, #tpu.memory_space<hbm>> -> memref<100000x128xf32, #tpu.memory_space<hbm>>
      tpu.wait_indirect_dma semaphore(%arg7 : memref<!tpu.dma_semaphore, #tpu.memory_space<semaphore_mem>>) src(%dma_wait3A_132 : memref<100000x128xf32, #tpu.memory_space<hbm>>) dst(%dma_wait3A_126 : memref<128x128xf32, #tpu.memory_space<vmem>>)
      %mul3A_133 = arith.constant 128 : i32
      %mul3A_134 = arith.muli %add3A_121, %mul3A_133 : i32
      %add3A_135 = arith.addi %mul3A_2, %mul3A_134 : i32
      %dma_start3A_136 = arith.constant 0 : i32
      %dma_start3A_137 = arith.constant 0 : i32
      %dma_start3A_138 = arith.constant 0 : i32
      %dma_start3A_139 = tpu.memref_slice %arg6[%dma_start3A_136, %dma_start3A_137, %dma_start3A_138] : memref<5x128x128xf32, #tpu.memory_space<vmem>> -> memref<1x128x128xf32, #tpu.memory_space<vmem>>
      %dma_start3A_140 = tpu.memref_squeeze %dma_start3A_139 : memref<1x128x128xf32, #tpu.memory_space<vmem>> -> memref<128x128xf32, #tpu.memory_space<vmem>>
      %dma_start3A_141 = arith.constant 0 : i32
      %dma_start3A_142 = tpu.memref_slice %arg4[%add3A_135, %dma_start3A_141] : memref<819200x128xf32, #tpu.memory_space<hbm>> -> memref<128x128xf32, #tpu.memory_space<hbm>>
      %dma_start3A_143 = arith.constant 0 : i32
      %dma_start3A_144 = tpu.memref_slice %arg4[%add3A_135, %dma_start3A_143] : memref<819200x128xf32, #tpu.memory_space<hbm>> -> memref<128x128xf32, #tpu.memory_space<hbm>>
      %dma_start3A_145 = arith.constant 0 : i32
      %dma_start3A_146 = arith.constant 0 : i32
      %dma_start3A_147 = tpu.memref_slice %arg6[%dma_start3A_136, %dma_start3A_145, %dma_start3A_146] : memref<5x128x128xf32, #tpu.memory_space<vmem>> -> memref<1x128x128xf32, #tpu.memory_space<vmem>>
      %dma_start3A_148 = tpu.memref_squeeze %dma_start3A_147 : memref<1x128x128xf32, #tpu.memory_space<vmem>> -> memref<128x128xf32, #tpu.memory_space<vmem>>
      tpu.enqueue_dma source(%dma_start3A_148 : memref<128x128xf32, #tpu.memory_space<vmem>>) target(%dma_start3A_144 : memref<128x128xf32, #tpu.memory_space<hbm>>) target_semaphore(%arg12 : memref<!tpu.dma_semaphore, #tpu.memory_space<semaphore_mem>>)
      %add3A_149 = arith.constant 3 : i32
      %add3A_150 = arith.addi %add3A_121, %add3A_149 : i32
      %lt3A = arith.constant 200 : i32
      %lt3A_151 = arith.cmpi slt, %add3A_150, %lt3A : i32
      %convert_element_type3A = arith.extui %lt3A_151 : i1 to i32
      %cond3A = arith.constant 0 : i32
      %cond3A_152 = arith.cmpi ne, %convert_element_type3A, %cond3A : i32
      scf.if %cond3A_152 {
        %add3A_305 = arith.constant 3 : i32
        %add3A_306 = arith.addi %add3A_121, %add3A_305 : i32
        %sub3A = arith.constant 5 : i32
        %sub3A_307 = arith.subi %add3A_306, %sub3A : i32
        %ge3A = arith.constant 0 : i32
        %ge3A_308 = arith.cmpi sge, %sub3A_307, %ge3A : i32
        %convert_element_type3A_309 = arith.extui %ge3A_308 : i1 to i32
        %cond3A_310 = arith.constant 0 : i32
        %cond3A_311 = arith.cmpi ne, %convert_element_type3A_309, %cond3A_310 : i32
        scf.if %cond3A_311 {
          %mul3A_325 = arith.constant 128 : i32
          %mul3A_326 = arith.muli %sub3A_307, %mul3A_325 : i32
          %add3A_327 = arith.addi %mul3A_2, %mul3A_326 : i32
          %dma_wait3A_328 = arith.constant 3 : i32
          %dma_wait3A_329 = arith.constant 0 : i32
          %dma_wait3A_330 = arith.constant 0 : i32
          %dma_wait3A_331 = tpu.memref_slice %arg6[%dma_wait3A_328, %dma_wait3A_329, %dma_wait3A_330] : memref<5x128x128xf32, #tpu.memory_space<vmem>> -> memref<1x128x128xf32, #tpu.memory_space<vmem>>
          %dma_wait3A_332 = tpu.memref_squeeze %dma_wait3A_331 : memref<1x128x128xf32, #tpu.memory_space<vmem>> -> memref<128x128xf32, #tpu.memory_space<vmem>>
          %dma_wait3A_333 = arith.constant 0 : i32
          %dma_wait3A_334 = tpu.memref_slice %arg4[%add3A_327, %dma_wait3A_333] : memref<819200x128xf32, #tpu.memory_space<hbm>> -> memref<128x128xf32, #tpu.memory_space<hbm>>
          %dma_wait3A_335 = arith.constant 0 : i32
          %dma_wait3A_336 = tpu.memref_slice %arg4[%add3A_327, %dma_wait3A_335] : memref<819200x128xf32, #tpu.memory_space<hbm>> -> memref<128x128xf32, #tpu.memory_space<hbm>>
          %dma_wait3A_337 = arith.constant 0 : i32
          %dma_wait3A_338 = arith.constant 0 : i32
          %dma_wait3A_339 = tpu.memref_slice %arg6[%dma_wait3A_328, %dma_wait3A_337, %dma_wait3A_338] : memref<5x128x128xf32, #tpu.memory_space<vmem>> -> memref<1x128x128xf32, #tpu.memory_space<vmem>>
          %dma_wait3A_340 = tpu.memref_squeeze %dma_wait3A_339 : memref<1x128x128xf32, #tpu.memory_space<vmem>> -> memref<128x128xf32, #tpu.memory_space<vmem>>
          tpu.wait_dma2 semaphore(%arg15 : memref<!tpu.dma_semaphore, #tpu.memory_space<semaphore_mem>>) src(%dma_wait3A_340 : memref<128x128xf32, #tpu.memory_space<vmem>>) dst(%dma_wait3A_336 : memref<128x128xf32, #tpu.memory_space<hbm>>)
        } else {
        }
        %add3A_312 = arith.constant 3 : i32
        %add3A_313 = arith.addi %add3A_121, %add3A_312 : i32
        %dma_start3A_314 = arith.constant 3 : i32
        %dma_start3A_315 = arith.constant 0 : i32
        %dma_start3A_316 = arith.constant 0 : i32
        %dma_start3A_317 = tpu.memref_slice %arg6[%dma_start3A_314, %dma_start3A_315, %dma_start3A_316] : memref<5x128x128xf32, #tpu.memory_space<vmem>> -> memref<1x128x128xf32, #tpu.memory_space<vmem>>
        %dma_start3A_318 = tpu.memref_squeeze %dma_start3A_317 : memref<1x128x128xf32, #tpu.memory_space<vmem>> -> memref<128x128xf32, #tpu.memory_space<vmem>>
        %dma_start3A_319 = arith.constant 0 : i32
        %dma_start3A_320 = tpu.memref_slice %arg5[%add3A_313, %dma_start3A_319] : memref<200x128xi32, #tpu.memory_space<vmem>> -> memref<1x128xi32, #tpu.memory_space<vmem>>
        %dma_start3A_321 = tpu.memref_squeeze %dma_start3A_320 : memref<1x128xi32, #tpu.memory_space<vmem>> -> memref<128xi32, #tpu.memory_space<vmem>>
        %dma_start3A_322 = arith.constant 0 : i32
        %dma_start3A_323 = arith.constant 0 : i32
        %dma_start3A_324 = tpu.memref_slice %arg3[%dma_start3A_322, %dma_start3A_323] : memref<100000x128xf32, #tpu.memory_space<hbm>> -> memref<100000x128xf32, #tpu.memory_space<hbm>>
        tpu.enqueue_indirect_dma source(%dma_start3A_324 : memref<100000x128xf32, #tpu.memory_space<hbm>>) target(%dma_start3A_318 : memref<128x128xf32, #tpu.memory_space<vmem>>) offsets(%dma_start3A_321 : memref<128xi32, #tpu.memory_space<vmem>>) semaphore(%arg10 : memref<!tpu.dma_semaphore, #tpu.memory_space<semaphore_mem>>)
      } else {
      }
      %mul3A_153 = arith.constant 5 : i32
      %mul3A_154 = arith.muli %scan3A_117, %mul3A_153 : i32
      %add3A_155 = arith.constant 1 : i32
      %add3A_156 = arith.addi %mul3A_154, %add3A_155 : i32
      %dma_wait3A_157 = arith.constant 1 : i32
      %dma_wait3A_158 = arith.constant 0 : i32
      %dma_wait3A_159 = arith.constant 0 : i32
      %dma_wait3A_160 = tpu.memref_slice %arg6[%dma_wait3A_157, %dma_wait3A_158, %dma_wait3A_159] : memref<5x128x128xf32, #tpu.memory_space<vmem>> -> memref<1x128x128xf32, #tpu.memory_space<vmem>>
      %dma_wait3A_161 = tpu.memref_squeeze %dma_wait3A_160 : memref<1x128x128xf32, #tpu.memory_space<vmem>> -> memref<128x128xf32, #tpu.memory_space<vmem>>
      %dma_wait3A_162 = arith.constant 0 : i32
      %dma_wait3A_163 = tpu.memref_slice %arg5[%add3A_156, %dma_wait3A_162] : memref<200x128xi32, #tpu.memory_space<vmem>> -> memref<1x128xi32, #tpu.memory_space<vmem>>
      %dma_wait3A_164 = tpu.memref_squeeze %dma_wait3A_163 : memref<1x128xi32, #tpu.memory_space<vmem>> -> memref<128xi32, #tpu.memory_space<vmem>>
      %dma_wait3A_165 = arith.constant 0 : i32
      %dma_wait3A_166 = arith.constant 0 : i32
      %dma_wait3A_167 = tpu.memref_slice %arg3[%dma_wait3A_165, %dma_wait3A_166] : memref<100000x128xf32, #tpu.memory_space<hbm>> -> memref<100000x128xf32, #tpu.memory_space<hbm>>
      tpu.wait_indirect_dma semaphore(%arg8 : memref<!tpu.dma_semaphore, #tpu.memory_space<semaphore_mem>>) src(%dma_wait3A_167 : memref<100000x128xf32, #tpu.memory_space<hbm>>) dst(%dma_wait3A_161 : memref<128x128xf32, #tpu.memory_space<vmem>>)
      %mul3A_168 = arith.constant 128 : i32
      %mul3A_169 = arith.muli %add3A_156, %mul3A_168 : i32
      %add3A_170 = arith.addi %mul3A_2, %mul3A_169 : i32
      %dma_start3A_171 = arith.constant 1 : i32
      %dma_start3A_172 = arith.constant 0 : i32
      %dma_start3A_173 = arith.constant 0 : i32
      %dma_start3A_174 = tpu.memref_slice %arg6[%dma_start3A_171, %dma_start3A_172, %dma_start3A_173] : memref<5x128x128xf32, #tpu.memory_space<vmem>> -> memref<1x128x128xf32, #tpu.memory_space<vmem>>
      %dma_start3A_175 = tpu.memref_squeeze %dma_start3A_174 : memref<1x128x128xf32, #tpu.memory_space<vmem>> -> memref<128x128xf32, #tpu.memory_space<vmem>>
      %dma_start3A_176 = arith.constant 0 : i32
      %dma_start3A_177 = tpu.memref_slice %arg4[%add3A_170, %dma_start3A_176] : memref<819200x128xf32, #tpu.memory_space<hbm>> -> memref<128x128xf32, #tpu.memory_space<hbm>>
      %dma_start3A_178 = arith.constant 0 : i32
      %dma_start3A_179 = tpu.memref_slice %arg4[%add3A_170, %dma_start3A_178] : memref<819200x128xf32, #tpu.memory_space<hbm>> -> memref<128x128xf32, #tpu.memory_space<hbm>>
      %dma_start3A_180 = arith.constant 0 : i32
      %dma_start3A_181 = arith.constant 0 : i32
      %dma_start3A_182 = tpu.memref_slice %arg6[%dma_start3A_171, %dma_start3A_180, %dma_start3A_181] : memref<5x128x128xf32, #tpu.memory_space<vmem>> -> memref<1x128x128xf32, #tpu.memory_space<vmem>>
      %dma_start3A_183 = tpu.memref_squeeze %dma_start3A_182 : memref<1x128x128xf32, #tpu.memory_space<vmem>> -> memref<128x128xf32, #tpu.memory_space<vmem>>
      tpu.enqueue_dma source(%dma_start3A_183 : memref<128x128xf32, #tpu.memory_space<vmem>>) target(%dma_start3A_179 : memref<128x128xf32, #tpu.memory_space<hbm>>) target_semaphore(%arg13 : memref<!tpu.dma_semaphore, #tpu.memory_space<semaphore_mem>>)
      %add3A_184 = arith.constant 3 : i32
      %add3A_185 = arith.addi %add3A_156, %add3A_184 : i32
      %lt3A_186 = arith.constant 200 : i32
      %lt3A_187 = arith.cmpi slt, %add3A_185, %lt3A_186 : i32
      %convert_element_type3A_188 = arith.extui %lt3A_187 : i1 to i32
      %cond3A_189 = arith.constant 0 : i32
      %cond3A_190 = arith.cmpi ne, %convert_element_type3A_188, %cond3A_189 : i32
      scf.if %cond3A_190 {
        %add3A_305 = arith.constant 3 : i32
        %add3A_306 = arith.addi %add3A_156, %add3A_305 : i32
        %sub3A = arith.constant 5 : i32
        %sub3A_307 = arith.subi %add3A_306, %sub3A : i32
        %ge3A = arith.constant 0 : i32
        %ge3A_308 = arith.cmpi sge, %sub3A_307, %ge3A : i32
        %convert_element_type3A_309 = arith.extui %ge3A_308 : i1 to i32
        %cond3A_310 = arith.constant 0 : i32
        %cond3A_311 = arith.cmpi ne, %convert_element_type3A_309, %cond3A_310 : i32
        scf.if %cond3A_311 {
          %mul3A_325 = arith.constant 128 : i32
          %mul3A_326 = arith.muli %sub3A_307, %mul3A_325 : i32
          %add3A_327 = arith.addi %mul3A_2, %mul3A_326 : i32
          %dma_wait3A_328 = arith.constant 4 : i32
          %dma_wait3A_329 = arith.constant 0 : i32
          %dma_wait3A_330 = arith.constant 0 : i32
          %dma_wait3A_331 = tpu.memref_slice %arg6[%dma_wait3A_328, %dma_wait3A_329, %dma_wait3A_330] : memref<5x128x128xf32, #tpu.memory_space<vmem>> -> memref<1x128x128xf32, #tpu.memory_space<vmem>>
          %dma_wait3A_332 = tpu.memref_squeeze %dma_wait3A_331 : memref<1x128x128xf32, #tpu.memory_space<vmem>> -> memref<128x128xf32, #tpu.memory_space<vmem>>
          %dma_wait3A_333 = arith.constant 0 : i32
          %dma_wait3A_334 = tpu.memref_slice %arg4[%add3A_327, %dma_wait3A_333] : memref<819200x128xf32, #tpu.memory_space<hbm>> -> memref<128x128xf32, #tpu.memory_space<hbm>>
          %dma_wait3A_335 = arith.constant 0 : i32
          %dma_wait3A_336 = tpu.memref_slice %arg4[%add3A_327, %dma_wait3A_335] : memref<819200x128xf32, #tpu.memory_space<hbm>> -> memref<128x128xf32, #tpu.memory_space<hbm>>
          %dma_wait3A_337 = arith.constant 0 : i32
          %dma_wait3A_338 = arith.constant 0 : i32
          %dma_wait3A_339 = tpu.memref_slice %arg6[%dma_wait3A_328, %dma_wait3A_337, %dma_wait3A_338] : memref<5x128x128xf32, #tpu.memory_space<vmem>> -> memref<1x128x128xf32, #tpu.memory_space<vmem>>
          %dma_wait3A_340 = tpu.memref_squeeze %dma_wait3A_339 : memref<1x128x128xf32, #tpu.memory_space<vmem>> -> memref<128x128xf32, #tpu.memory_space<vmem>>
          tpu.wait_dma2 semaphore(%arg16 : memref<!tpu.dma_semaphore, #tpu.memory_space<semaphore_mem>>) src(%dma_wait3A_340 : memref<128x128xf32, #tpu.memory_space<vmem>>) dst(%dma_wait3A_336 : memref<128x128xf32, #tpu.memory_space<hbm>>)
        } else {
        }
        %add3A_312 = arith.constant 3 : i32
        %add3A_313 = arith.addi %add3A_156, %add3A_312 : i32
        %dma_start3A_314 = arith.constant 4 : i32
        %dma_start3A_315 = arith.constant 0 : i32
        %dma_start3A_316 = arith.constant 0 : i32
        %dma_start3A_317 = tpu.memref_slice %arg6[%dma_start3A_314, %dma_start3A_315, %dma_start3A_316] : memref<5x128x128xf32, #tpu.memory_space<vmem>> -> memref<1x128x128xf32, #tpu.memory_space<vmem>>
        %dma_start3A_318 = tpu.memref_squeeze %dma_start3A_317 : memref<1x128x128xf32, #tpu.memory_space<vmem>> -> memref<128x128xf32, #tpu.memory_space<vmem>>
        %dma_start3A_319 = arith.constant 0 : i32
        %dma_start3A_320 = tpu.memref_slice %arg5[%add3A_313, %dma_start3A_319] : memref<200x128xi32, #tpu.memory_space<vmem>> -> memref<1x128xi32, #tpu.memory_space<vmem>>
        %dma_start3A_321 = tpu.memref_squeeze %dma_start3A_320 : memref<1x128xi32, #tpu.memory_space<vmem>> -> memref<128xi32, #tpu.memory_space<vmem>>
        %dma_start3A_322 = arith.constant 0 : i32
        %dma_start3A_323 = arith.constant 0 : i32
        %dma_start3A_324 = tpu.memref_slice %arg3[%dma_start3A_322, %dma_start3A_323] : memref<100000x128xf32, #tpu.memory_space<hbm>> -> memref<100000x128xf32, #tpu.memory_space<hbm>>
        tpu.enqueue_indirect_dma source(%dma_start3A_324 : memref<100000x128xf32, #tpu.memory_space<hbm>>) target(%dma_start3A_318 : memref<128x128xf32, #tpu.memory_space<vmem>>) offsets(%dma_start3A_321 : memref<128xi32, #tpu.memory_space<vmem>>) semaphore(%arg11 : memref<!tpu.dma_semaphore, #tpu.memory_space<semaphore_mem>>)
      } else {
      }
      %mul3A_191 = arith.constant 5 : i32
      %mul3A_192 = arith.muli %scan3A_117, %mul3A_191 : i32
      %add3A_193 = arith.constant 2 : i32
      %add3A_194 = arith.addi %mul3A_192, %add3A_193 : i32
      %dma_wait3A_195 = arith.constant 2 : i32
      %dma_wait3A_196 = arith.constant 0 : i32
      %dma_wait3A_197 = arith.constant 0 : i32
      %dma_wait3A_198 = tpu.memref_slice %arg6[%dma_wait3A_195, %dma_wait3A_196, %dma_wait3A_197] : memref<5x128x128xf32, #tpu.memory_space<vmem>> -> memref<1x128x128xf32, #tpu.memory_space<vmem>>
      %dma_wait3A_199 = tpu.memref_squeeze %dma_wait3A_198 : memref<1x128x128xf32, #tpu.memory_space<vmem>> -> memref<128x128xf32, #tpu.memory_space<vmem>>
      %dma_wait3A_200 = arith.constant 0 : i32
      %dma_wait3A_201 = tpu.memref_slice %arg5[%add3A_194, %dma_wait3A_200] : memref<200x128xi32, #tpu.memory_space<vmem>> -> memref<1x128xi32, #tpu.memory_space<vmem>>
      %dma_wait3A_202 = tpu.memref_squeeze %dma_wait3A_201 : memref<1x128xi32, #tpu.memory_space<vmem>> -> memref<128xi32, #tpu.memory_space<vmem>>
      %dma_wait3A_203 = arith.constant 0 : i32
      %dma_wait3A_204 = arith.constant 0 : i32
      %dma_wait3A_205 = tpu.memref_slice %arg3[%dma_wait3A_203, %dma_wait3A_204] : memref<100000x128xf32, #tpu.memory_space<hbm>> -> memref<100000x128xf32, #tpu.memory_space<hbm>>
      tpu.wait_indirect_dma semaphore(%arg9 : memref<!tpu.dma_semaphore, #tpu.memory_space<semaphore_mem>>) src(%dma_wait3A_205 : memref<100000x128xf32, #tpu.memory_space<hbm>>) dst(%dma_wait3A_199 : memref<128x128xf32, #tpu.memory_space<vmem>>)
      %mul3A_206 = arith.constant 128 : i32
      %mul3A_207 = arith.muli %add3A_194, %mul3A_206 : i32
      %add3A_208 = arith.addi %mul3A_2, %mul3A_207 : i32
      %dma_start3A_209 = arith.constant 2 : i32
      %dma_start3A_210 = arith.constant 0 : i32
      %dma_start3A_211 = arith.constant 0 : i32
      %dma_start3A_212 = tpu.memref_slice %arg6[%dma_start3A_209, %dma_start3A_210, %dma_start3A_211] : memref<5x128x128xf32, #tpu.memory_space<vmem>> -> memref<1x128x128xf32, #tpu.memory_space<vmem>>
      %dma_start3A_213 = tpu.memref_squeeze %dma_start3A_212 : memref<1x128x128xf32, #tpu.memory_space<vmem>> -> memref<128x128xf32, #tpu.memory_space<vmem>>
      %dma_start3A_214 = arith.constant 0 : i32
      %dma_start3A_215 = tpu.memref_slice %arg4[%add3A_208, %dma_start3A_214] : memref<819200x128xf32, #tpu.memory_space<hbm>> -> memref<128x128xf32, #tpu.memory_space<hbm>>
      %dma_start3A_216 = arith.constant 0 : i32
      %dma_start3A_217 = tpu.memref_slice %arg4[%add3A_208, %dma_start3A_216] : memref<819200x128xf32, #tpu.memory_space<hbm>> -> memref<128x128xf32, #tpu.memory_space<hbm>>
      %dma_start3A_218 = arith.constant 0 : i32
      %dma_start3A_219 = arith.constant 0 : i32
      %dma_start3A_220 = tpu.memref_slice %arg6[%dma_start3A_209, %dma_start3A_218, %dma_start3A_219] : memref<5x128x128xf32, #tpu.memory_space<vmem>> -> memref<1x128x128xf32, #tpu.memory_space<vmem>>
      %dma_start3A_221 = tpu.memref_squeeze %dma_start3A_220 : memref<1x128x128xf32, #tpu.memory_space<vmem>> -> memref<128x128xf32, #tpu.memory_space<vmem>>
      tpu.enqueue_dma source(%dma_start3A_221 : memref<128x128xf32, #tpu.memory_space<vmem>>) target(%dma_start3A_217 : memref<128x128xf32, #tpu.memory_space<hbm>>) target_semaphore(%arg14 : memref<!tpu.dma_semaphore, #tpu.memory_space<semaphore_mem>>)
      %add3A_222 = arith.constant 3 : i32
      %add3A_223 = arith.addi %add3A_194, %add3A_222 : i32
      %lt3A_224 = arith.constant 200 : i32
      %lt3A_225 = arith.cmpi slt, %add3A_223, %lt3A_224 : i32
      %convert_element_type3A_226 = arith.extui %lt3A_225 : i1 to i32
      %cond3A_227 = arith.constant 0 : i32
      %cond3A_228 = arith.cmpi ne, %convert_element_type3A_226, %cond3A_227 : i32
      scf.if %cond3A_228 {
        %add3A_305 = arith.constant 3 : i32
        %add3A_306 = arith.addi %add3A_194, %add3A_305 : i32
        %sub3A = arith.constant 5 : i32
        %sub3A_307 = arith.subi %add3A_306, %sub3A : i32
        %ge3A = arith.constant 0 : i32
        %ge3A_308 = arith.cmpi sge, %sub3A_307, %ge3A : i32
        %convert_element_type3A_309 = arith.extui %ge3A_308 : i1 to i32
        %cond3A_310 = arith.constant 0 : i32
        %cond3A_311 = arith.cmpi ne, %convert_element_type3A_309, %cond3A_310 : i32
        scf.if %cond3A_311 {
          %mul3A_325 = arith.constant 128 : i32
          %mul3A_326 = arith.muli %sub3A_307, %mul3A_325 : i32
          %add3A_327 = arith.addi %mul3A_2, %mul3A_326 : i32
          %dma_wait3A_328 = arith.constant 0 : i32
          %dma_wait3A_329 = arith.constant 0 : i32
          %dma_wait3A_330 = arith.constant 0 : i32
          %dma_wait3A_331 = tpu.memref_slice %arg6[%dma_wait3A_328, %dma_wait3A_329, %dma_wait3A_330] : memref<5x128x128xf32, #tpu.memory_space<vmem>> -> memref<1x128x128xf32, #tpu.memory_space<vmem>>
          %dma_wait3A_332 = tpu.memref_squeeze %dma_wait3A_331 : memref<1x128x128xf32, #tpu.memory_space<vmem>> -> memref<128x128xf32, #tpu.memory_space<vmem>>
          %dma_wait3A_333 = arith.constant 0 : i32
          %dma_wait3A_334 = tpu.memref_slice %arg4[%add3A_327, %dma_wait3A_333] : memref<819200x128xf32, #tpu.memory_space<hbm>> -> memref<128x128xf32, #tpu.memory_space<hbm>>
          %dma_wait3A_335 = arith.constant 0 : i32
          %dma_wait3A_336 = tpu.memref_slice %arg4[%add3A_327, %dma_wait3A_335] : memref<819200x128xf32, #tpu.memory_space<hbm>> -> memref<128x128xf32, #tpu.memory_space<hbm>>
          %dma_wait3A_337 = arith.constant 0 : i32
          %dma_wait3A_338 = arith.constant 0 : i32
          %dma_wait3A_339 = tpu.memref_slice %arg6[%dma_wait3A_328, %dma_wait3A_337, %dma_wait3A_338] : memref<5x128x128xf32, #tpu.memory_space<vmem>> -> memref<1x128x128xf32, #tpu.memory_space<vmem>>
          %dma_wait3A_340 = tpu.memref_squeeze %dma_wait3A_339 : memref<1x128x128xf32, #tpu.memory_space<vmem>> -> memref<128x128xf32, #tpu.memory_space<vmem>>
          tpu.wait_dma2 semaphore(%arg12 : memref<!tpu.dma_semaphore, #tpu.memory_space<semaphore_mem>>) src(%dma_wait3A_340 : memref<128x128xf32, #tpu.memory_space<vmem>>) dst(%dma_wait3A_336 : memref<128x128xf32, #tpu.memory_space<hbm>>)
        } else {
        }
        %add3A_312 = arith.constant 3 : i32
        %add3A_313 = arith.addi %add3A_194, %add3A_312 : i32
        %dma_start3A_314 = arith.constant 0 : i32
        %dma_start3A_315 = arith.constant 0 : i32
        %dma_start3A_316 = arith.constant 0 : i32
        %dma_start3A_317 = tpu.memref_slice %arg6[%dma_start3A_314, %dma_start3A_315, %dma_start3A_316] : memref<5x128x128xf32, #tpu.memory_space<vmem>> -> memref<1x128x128xf32, #tpu.memory_space<vmem>>
        %dma_start3A_318 = tpu.memref_squeeze %dma_start3A_317 : memref<1x128x128xf32, #tpu.memory_space<vmem>> -> memref<128x128xf32, #tpu.memory_space<vmem>>
        %dma_start3A_319 = arith.constant 0 : i32
        %dma_start3A_320 = tpu.memref_slice %arg5[%add3A_313, %dma_start3A_319] : memref<200x128xi32, #tpu.memory_space<vmem>> -> memref<1x128xi32, #tpu.memory_space<vmem>>
        %dma_start3A_321 = tpu.memref_squeeze %dma_start3A_320 : memref<1x128xi32, #tpu.memory_space<vmem>> -> memref<128xi32, #tpu.memory_space<vmem>>
        %dma_start3A_322 = arith.constant 0 : i32
        %dma_start3A_323 = arith.constant 0 : i32
        %dma_start3A_324 = tpu.memref_slice %arg3[%dma_start3A_322, %dma_start3A_323] : memref<100000x128xf32, #tpu.memory_space<hbm>> -> memref<100000x128xf32, #tpu.memory_space<hbm>>
        tpu.enqueue_indirect_dma source(%dma_start3A_324 : memref<100000x128xf32, #tpu.memory_space<hbm>>) target(%dma_start3A_318 : memref<128x128xf32, #tpu.memory_space<vmem>>) offsets(%dma_start3A_321 : memref<128xi32, #tpu.memory_space<vmem>>) semaphore(%arg7 : memref<!tpu.dma_semaphore, #tpu.memory_space<semaphore_mem>>)
      } else {
      }
      %mul3A_229 = arith.constant 5 : i32
      %mul3A_230 = arith.muli %scan3A_117, %mul3A_229 : i32
      %add3A_231 = arith.constant 3 : i32
      %add3A_232 = arith.addi %mul3A_230, %add3A_231 : i32
      %dma_wait3A_233 = arith.constant 3 : i32
      %dma_wait3A_234 = arith.constant 0 : i32
      %dma_wait3A_235 = arith.constant 0 : i32
      %dma_wait3A_236 = tpu.memref_slice %arg6[%dma_wait3A_233, %dma_wait3A_234, %dma_wait3A_235] : memref<5x128x128xf32, #tpu.memory_space<vmem>> -> memref<1x128x128xf32, #tpu.memory_space<vmem>>
      %dma_wait3A_237 = tpu.memref_squeeze %dma_wait3A_236 : memref<1x128x128xf32, #tpu.memory_space<vmem>> -> memref<128x128xf32, #tpu.memory_space<vmem>>
      %dma_wait3A_238 = arith.constant 0 : i32
      %dma_wait3A_239 = tpu.memref_slice %arg5[%add3A_232, %dma_wait3A_238] : memref<200x128xi32, #tpu.memory_space<vmem>> -> memref<1x128xi32, #tpu.memory_space<vmem>>
      %dma_wait3A_240 = tpu.memref_squeeze %dma_wait3A_239 : memref<1x128xi32, #tpu.memory_space<vmem>> -> memref<128xi32, #tpu.memory_space<vmem>>
      %dma_wait3A_241 = arith.constant 0 : i32
      %dma_wait3A_242 = arith.constant 0 : i32
      %dma_wait3A_243 = tpu.memref_slice %arg3[%dma_wait3A_241, %dma_wait3A_242] : memref<100000x128xf32, #tpu.memory_space<hbm>> -> memref<100000x128xf32, #tpu.memory_space<hbm>>
      tpu.wait_indirect_dma semaphore(%arg10 : memref<!tpu.dma_semaphore, #tpu.memory_space<semaphore_mem>>) src(%dma_wait3A_243 : memref<100000x128xf32, #tpu.memory_space<hbm>>) dst(%dma_wait3A_237 : memref<128x128xf32, #tpu.memory_space<vmem>>)
      %mul3A_244 = arith.constant 128 : i32
      %mul3A_245 = arith.muli %add3A_232, %mul3A_244 : i32
      %add3A_246 = arith.addi %mul3A_2, %mul3A_245 : i32
      %dma_start3A_247 = arith.constant 3 : i32
      %dma_start3A_248 = arith.constant 0 : i32
      %dma_start3A_249 = arith.constant 0 : i32
      %dma_start3A_250 = tpu.memref_slice %arg6[%dma_start3A_247, %dma_start3A_248, %dma_start3A_249] : memref<5x128x128xf32, #tpu.memory_space<vmem>> -> memref<1x128x128xf32, #tpu.memory_space<vmem>>
      %dma_start3A_251 = tpu.memref_squeeze %dma_start3A_250 : memref<1x128x128xf32, #tpu.memory_space<vmem>> -> memref<128x128xf32, #tpu.memory_space<vmem>>
      %dma_start3A_252 = arith.constant 0 : i32
      %dma_start3A_253 = tpu.memref_slice %arg4[%add3A_246, %dma_start3A_252] : memref<819200x128xf32, #tpu.memory_space<hbm>> -> memref<128x128xf32, #tpu.memory_space<hbm>>
      %dma_start3A_254 = arith.constant 0 : i32
      %dma_start3A_255 = tpu.memref_slice %arg4[%add3A_246, %dma_start3A_254] : memref<819200x128xf32, #tpu.memory_space<hbm>> -> memref<128x128xf32, #tpu.memory_space<hbm>>
      %dma_start3A_256 = arith.constant 0 : i32
      %dma_start3A_257 = arith.constant 0 : i32
      %dma_start3A_258 = tpu.memref_slice %arg6[%dma_start3A_247, %dma_start3A_256, %dma_start3A_257] : memref<5x128x128xf32, #tpu.memory_space<vmem>> -> memref<1x128x128xf32, #tpu.memory_space<vmem>>
      %dma_start3A_259 = tpu.memref_squeeze %dma_start3A_258 : memref<1x128x128xf32, #tpu.memory_space<vmem>> -> memref<128x128xf32, #tpu.memory_space<vmem>>
      tpu.enqueue_dma source(%dma_start3A_259 : memref<128x128xf32, #tpu.memory_space<vmem>>) target(%dma_start3A_255 : memref<128x128xf32, #tpu.memory_space<hbm>>) target_semaphore(%arg15 : memref<!tpu.dma_semaphore, #tpu.memory_space<semaphore_mem>>)
      %add3A_260 = arith.constant 3 : i32
      %add3A_261 = arith.addi %add3A_232, %add3A_260 : i32
      %lt3A_262 = arith.constant 200 : i32
      %lt3A_263 = arith.cmpi slt, %add3A_261, %lt3A_262 : i32
      %convert_element_type3A_264 = arith.extui %lt3A_263 : i1 to i32
      %cond3A_265 = arith.constant 0 : i32
      %cond3A_266 = arith.cmpi ne, %convert_element_type3A_264, %cond3A_265 : i32
      scf.if %cond3A_266 {
        %add3A_305 = arith.constant 3 : i32
        %add3A_306 = arith.addi %add3A_232, %add3A_305 : i32
        %sub3A = arith.constant 5 : i32
        %sub3A_307 = arith.subi %add3A_306, %sub3A : i32
        %ge3A = arith.constant 0 : i32
        %ge3A_308 = arith.cmpi sge, %sub3A_307, %ge3A : i32
        %convert_element_type3A_309 = arith.extui %ge3A_308 : i1 to i32
        %cond3A_310 = arith.constant 0 : i32
        %cond3A_311 = arith.cmpi ne, %convert_element_type3A_309, %cond3A_310 : i32
        scf.if %cond3A_311 {
          %mul3A_325 = arith.constant 128 : i32
          %mul3A_326 = arith.muli %sub3A_307, %mul3A_325 : i32
          %add3A_327 = arith.addi %mul3A_2, %mul3A_326 : i32
          %dma_wait3A_328 = arith.constant 1 : i32
          %dma_wait3A_329 = arith.constant 0 : i32
          %dma_wait3A_330 = arith.constant 0 : i32
          %dma_wait3A_331 = tpu.memref_slice %arg6[%dma_wait3A_328, %dma_wait3A_329, %dma_wait3A_330] : memref<5x128x128xf32, #tpu.memory_space<vmem>> -> memref<1x128x128xf32, #tpu.memory_space<vmem>>
          %dma_wait3A_332 = tpu.memref_squeeze %dma_wait3A_331 : memref<1x128x128xf32, #tpu.memory_space<vmem>> -> memref<128x128xf32, #tpu.memory_space<vmem>>
          %dma_wait3A_333 = arith.constant 0 : i32
          %dma_wait3A_334 = tpu.memref_slice %arg4[%add3A_327, %dma_wait3A_333] : memref<819200x128xf32, #tpu.memory_space<hbm>> -> memref<128x128xf32, #tpu.memory_space<hbm>>
          %dma_wait3A_335 = arith.constant 0 : i32
          %dma_wait3A_336 = tpu.memref_slice %arg4[%add3A_327, %dma_wait3A_335] : memref<819200x128xf32, #tpu.memory_space<hbm>> -> memref<128x128xf32, #tpu.memory_space<hbm>>
          %dma_wait3A_337 = arith.constant 0 : i32
          %dma_wait3A_338 = arith.constant 0 : i32
          %dma_wait3A_339 = tpu.memref_slice %arg6[%dma_wait3A_328, %dma_wait3A_337, %dma_wait3A_338] : memref<5x128x128xf32, #tpu.memory_space<vmem>> -> memref<1x128x128xf32, #tpu.memory_space<vmem>>
          %dma_wait3A_340 = tpu.memref_squeeze %dma_wait3A_339 : memref<1x128x128xf32, #tpu.memory_space<vmem>> -> memref<128x128xf32, #tpu.memory_space<vmem>>
          tpu.wait_dma2 semaphore(%arg13 : memref<!tpu.dma_semaphore, #tpu.memory_space<semaphore_mem>>) src(%dma_wait3A_340 : memref<128x128xf32, #tpu.memory_space<vmem>>) dst(%dma_wait3A_336 : memref<128x128xf32, #tpu.memory_space<hbm>>)
        } else {
        }
        %add3A_312 = arith.constant 3 : i32
        %add3A_313 = arith.addi %add3A_232, %add3A_312 : i32
        %dma_start3A_314 = arith.constant 1 : i32
        %dma_start3A_315 = arith.constant 0 : i32
        %dma_start3A_316 = arith.constant 0 : i32
        %dma_start3A_317 = tpu.memref_slice %arg6[%dma_start3A_314, %dma_start3A_315, %dma_start3A_316] : memref<5x128x128xf32, #tpu.memory_space<vmem>> -> memref<1x128x128xf32, #tpu.memory_space<vmem>>
        %dma_start3A_318 = tpu.memref_squeeze %dma_start3A_317 : memref<1x128x128xf32, #tpu.memory_space<vmem>> -> memref<128x128xf32, #tpu.memory_space<vmem>>
        %dma_start3A_319 = arith.constant 0 : i32
        %dma_start3A_320 = tpu.memref_slice %arg5[%add3A_313, %dma_start3A_319] : memref<200x128xi32, #tpu.memory_space<vmem>> -> memref<1x128xi32, #tpu.memory_space<vmem>>
        %dma_start3A_321 = tpu.memref_squeeze %dma_start3A_320 : memref<1x128xi32, #tpu.memory_space<vmem>> -> memref<128xi32, #tpu.memory_space<vmem>>
        %dma_start3A_322 = arith.constant 0 : i32
        %dma_start3A_323 = arith.constant 0 : i32
        %dma_start3A_324 = tpu.memref_slice %arg3[%dma_start3A_322, %dma_start3A_323] : memref<100000x128xf32, #tpu.memory_space<hbm>> -> memref<100000x128xf32, #tpu.memory_space<hbm>>
        tpu.enqueue_indirect_dma source(%dma_start3A_324 : memref<100000x128xf32, #tpu.memory_space<hbm>>) target(%dma_start3A_318 : memref<128x128xf32, #tpu.memory_space<vmem>>) offsets(%dma_start3A_321 : memref<128xi32, #tpu.memory_space<vmem>>) semaphore(%arg8 : memref<!tpu.dma_semaphore, #tpu.memory_space<semaphore_mem>>)
      } else {
      }
      %mul3A_267 = arith.constant 5 : i32
      %mul3A_268 = arith.muli %scan3A_117, %mul3A_267 : i32
      %add3A_269 = arith.constant 4 : i32
      %add3A_270 = arith.addi %mul3A_268, %add3A_269 : i32
      %dma_wait3A_271 = arith.constant 4 : i32
      %dma_wait3A_272 = arith.constant 0 : i32
      %dma_wait3A_273 = arith.constant 0 : i32
      %dma_wait3A_274 = tpu.memref_slice %arg6[%dma_wait3A_271, %dma_wait3A_272, %dma_wait3A_273] : memref<5x128x128xf32, #tpu.memory_space<vmem>> -> memref<1x128x128xf32, #tpu.memory_space<vmem>>
      %dma_wait3A_275 = tpu.memref_squeeze %dma_wait3A_274 : memref<1x128x128xf32, #tpu.memory_space<vmem>> -> memref<128x128xf32, #tpu.memory_space<vmem>>
      %dma_wait3A_276 = arith.constant 0 : i32
      %dma_wait3A_277 = tpu.memref_slice %arg5[%add3A_270, %dma_wait3A_276] : memref<200x128xi32, #tpu.memory_space<vmem>> -> memref<1x128xi32, #tpu.memory_space<vmem>>
      %dma_wait3A_278 = tpu.memref_squeeze %dma_wait3A_277 : memref<1x128xi32, #tpu.memory_space<vmem>> -> memref<128xi32, #tpu.memory_space<vmem>>
      %dma_wait3A_279 = arith.constant 0 : i32
      %dma_wait3A_280 = arith.constant 0 : i32
      %dma_wait3A_281 = tpu.memref_slice %arg3[%dma_wait3A_279, %dma_wait3A_280] : memref<100000x128xf32, #tpu.memory_space<hbm>> -> memref<100000x128xf32, #tpu.memory_space<hbm>>
      tpu.wait_indirect_dma semaphore(%arg11 : memref<!tpu.dma_semaphore, #tpu.memory_space<semaphore_mem>>) src(%dma_wait3A_281 : memref<100000x128xf32, #tpu.memory_space<hbm>>) dst(%dma_wait3A_275 : memref<128x128xf32, #tpu.memory_space<vmem>>)
      %mul3A_282 = arith.constant 128 : i32
      %mul3A_283 = arith.muli %add3A_270, %mul3A_282 : i32
      %add3A_284 = arith.addi %mul3A_2, %mul3A_283 : i32
      %dma_start3A_285 = arith.constant 4 : i32
      %dma_start3A_286 = arith.constant 0 : i32
      %dma_start3A_287 = arith.constant 0 : i32
      %dma_start3A_288 = tpu.memref_slice %arg6[%dma_start3A_285, %dma_start3A_286, %dma_start3A_287] : memref<5x128x128xf32, #tpu.memory_space<vmem>> -> memref<1x128x128xf32, #tpu.memory_space<vmem>>
      %dma_start3A_289 = tpu.memref_squeeze %dma_start3A_288 : memref<1x128x128xf32, #tpu.memory_space<vmem>> -> memref<128x128xf32, #tpu.memory_space<vmem>>
      %dma_start3A_290 = arith.constant 0 : i32
      %dma_start3A_291 = tpu.memref_slice %arg4[%add3A_284, %dma_start3A_290] : memref<819200x128xf32, #tpu.memory_space<hbm>> -> memref<128x128xf32, #tpu.memory_space<hbm>>
      %dma_start3A_292 = arith.constant 0 : i32
      %dma_start3A_293 = tpu.memref_slice %arg4[%add3A_284, %dma_start3A_292] : memref<819200x128xf32, #tpu.memory_space<hbm>> -> memref<128x128xf32, #tpu.memory_space<hbm>>
      %dma_start3A_294 = arith.constant 0 : i32
      %dma_start3A_295 = arith.constant 0 : i32
      %dma_start3A_296 = tpu.memref_slice %arg6[%dma_start3A_285, %dma_start3A_294, %dma_start3A_295] : memref<5x128x128xf32, #tpu.memory_space<vmem>> -> memref<1x128x128xf32, #tpu.memory_space<vmem>>
      %dma_start3A_297 = tpu.memref_squeeze %dma_start3A_296 : memref<1x128x128xf32, #tpu.memory_space<vmem>> -> memref<128x128xf32, #tpu.memory_space<vmem>>
      tpu.enqueue_dma source(%dma_start3A_297 : memref<128x128xf32, #tpu.memory_space<vmem>>) target(%dma_start3A_293 : memref<128x128xf32, #tpu.memory_space<hbm>>) target_semaphore(%arg16 : memref<!tpu.dma_semaphore, #tpu.memory_space<semaphore_mem>>)
      %add3A_298 = arith.constant 3 : i32
      %add3A_299 = arith.addi %add3A_270, %add3A_298 : i32
      %lt3A_300 = arith.constant 200 : i32
      %lt3A_301 = arith.cmpi slt, %add3A_299, %lt3A_300 : i32
      %convert_element_type3A_302 = arith.extui %lt3A_301 : i1 to i32
      %cond3A_303 = arith.constant 0 : i32
      %cond3A_304 = arith.cmpi ne, %convert_element_type3A_302, %cond3A_303 : i32
      scf.if %cond3A_304 {
        %add3A_305 = arith.constant 3 : i32
        %add3A_306 = arith.addi %add3A_270, %add3A_305 : i32
        %sub3A = arith.constant 5 : i32
        %sub3A_307 = arith.subi %add3A_306, %sub3A : i32
        %ge3A = arith.constant 0 : i32
        %ge3A_308 = arith.cmpi sge, %sub3A_307, %ge3A : i32
        %convert_element_type3A_309 = arith.extui %ge3A_308 : i1 to i32
        %cond3A_310 = arith.constant 0 : i32
        %cond3A_311 = arith.cmpi ne, %convert_element_type3A_309, %cond3A_310 : i32
        scf.if %cond3A_311 {
          %mul3A_325 = arith.constant 128 : i32
          %mul3A_326 = arith.muli %sub3A_307, %mul3A_325 : i32
          %add3A_327 = arith.addi %mul3A_2, %mul3A_326 : i32
          %dma_wait3A_328 = arith.constant 2 : i32
          %dma_wait3A_329 = arith.constant 0 : i32
          %dma_wait3A_330 = arith.constant 0 : i32
          %dma_wait3A_331 = tpu.memref_slice %arg6[%dma_wait3A_328, %dma_wait3A_329, %dma_wait3A_330] : memref<5x128x128xf32, #tpu.memory_space<vmem>> -> memref<1x128x128xf32, #tpu.memory_space<vmem>>
          %dma_wait3A_332 = tpu.memref_squeeze %dma_wait3A_331 : memref<1x128x128xf32, #tpu.memory_space<vmem>> -> memref<128x128xf32, #tpu.memory_space<vmem>>
          %dma_wait3A_333 = arith.constant 0 : i32
          %dma_wait3A_334 = tpu.memref_slice %arg4[%add3A_327, %dma_wait3A_333] : memref<819200x128xf32, #tpu.memory_space<hbm>> -> memref<128x128xf32, #tpu.memory_space<hbm>>
          %dma_wait3A_335 = arith.constant 0 : i32
          %dma_wait3A_336 = tpu.memref_slice %arg4[%add3A_327, %dma_wait3A_335] : memref<819200x128xf32, #tpu.memory_space<hbm>> -> memref<128x128xf32, #tpu.memory_space<hbm>>
          %dma_wait3A_337 = arith.constant 0 : i32
          %dma_wait3A_338 = arith.constant 0 : i32
          %dma_wait3A_339 = tpu.memref_slice %arg6[%dma_wait3A_328, %dma_wait3A_337, %dma_wait3A_338] : memref<5x128x128xf32, #tpu.memory_space<vmem>> -> memref<1x128x128xf32, #tpu.memory_space<vmem>>
          %dma_wait3A_340 = tpu.memref_squeeze %dma_wait3A_339 : memref<1x128x128xf32, #tpu.memory_space<vmem>> -> memref<128x128xf32, #tpu.memory_space<vmem>>
          tpu.wait_dma2 semaphore(%arg14 : memref<!tpu.dma_semaphore, #tpu.memory_space<semaphore_mem>>) src(%dma_wait3A_340 : memref<128x128xf32, #tpu.memory_space<vmem>>) dst(%dma_wait3A_336 : memref<128x128xf32, #tpu.memory_space<hbm>>)
        } else {
        }
        %add3A_312 = arith.constant 3 : i32
        %add3A_313 = arith.addi %add3A_270, %add3A_312 : i32
        %dma_start3A_314 = arith.constant 2 : i32
        %dma_start3A_315 = arith.constant 0 : i32
        %dma_start3A_316 = arith.constant 0 : i32
        %dma_start3A_317 = tpu.memref_slice %arg6[%dma_start3A_314, %dma_start3A_315, %dma_start3A_316] : memref<5x128x128xf32, #tpu.memory_space<vmem>> -> memref<1x128x128xf32, #tpu.memory_space<vmem>>
        %dma_start3A_318 = tpu.memref_squeeze %dma_start3A_317 : memref<1x128x128xf32, #tpu.memory_space<vmem>> -> memref<128x128xf32, #tpu.memory_space<vmem>>
        %dma_start3A_319 = arith.constant 0 : i32
        %dma_start3A_320 = tpu.memref_slice %arg5[%add3A_313, %dma_start3A_319] : memref<200x128xi32, #tpu.memory_space<vmem>> -> memref<1x128xi32, #tpu.memory_space<vmem>>
        %dma_start3A_321 = tpu.memref_squeeze %dma_start3A_320 : memref<1x128xi32, #tpu.memory_space<vmem>> -> memref<128xi32, #tpu.memory_space<vmem>>
        %dma_start3A_322 = arith.constant 0 : i32
        %dma_start3A_323 = arith.constant 0 : i32
        %dma_start3A_324 = tpu.memref_slice %arg3[%dma_start3A_322, %dma_start3A_323] : memref<100000x128xf32, #tpu.memory_space<hbm>> -> memref<100000x128xf32, #tpu.memory_space<hbm>>
        tpu.enqueue_indirect_dma source(%dma_start3A_324 : memref<100000x128xf32, #tpu.memory_space<hbm>>) target(%dma_start3A_318 : memref<128x128xf32, #tpu.memory_space<vmem>>) offsets(%dma_start3A_321 : memref<128xi32, #tpu.memory_space<vmem>>) semaphore(%arg9 : memref<!tpu.dma_semaphore, #tpu.memory_space<semaphore_mem>>)
      } else {
      }
    }
    %scan3A_42 = arith.constant 40 : i32
    %add3A_43 = arith.constant 24960 : i32
    %add3A_44 = arith.addi %mul3A_2, %add3A_43 : i32
    %dma_wait3A = arith.constant 0 : i32
    %dma_wait3A_45 = arith.constant 0 : i32
    %dma_wait3A_46 = arith.constant 0 : i32
    %dma_wait3A_47 = tpu.memref_slice %arg6[%dma_wait3A, %dma_wait3A_45, %dma_wait3A_46] : memref<5x128x128xf32, #tpu.memory_space<vmem>> -> memref<1x128x128xf32, #tpu.memory_space<vmem>>
    %dma_wait3A_48 = tpu.memref_squeeze %dma_wait3A_47 : memref<1x128x128xf32, #tpu.memory_space<vmem>> -> memref<128x128xf32, #tpu.memory_space<vmem>>
    %dma_wait3A_49 = arith.constant 0 : i32
    %dma_wait3A_50 = tpu.memref_slice %arg4[%add3A_44, %dma_wait3A_49] : memref<819200x128xf32, #tpu.memory_space<hbm>> -> memref<128x128xf32, #tpu.memory_space<hbm>>
    %dma_wait3A_51 = arith.constant 0 : i32
    %dma_wait3A_52 = tpu.memref_slice %arg4[%add3A_44, %dma_wait3A_51] : memref<819200x128xf32, #tpu.memory_space<hbm>> -> memref<128x128xf32, #tpu.memory_space<hbm>>
    %dma_wait3A_53 = arith.constant 0 : i32
    %dma_wait3A_54 = arith.constant 0 : i32
    %dma_wait3A_55 = tpu.memref_slice %arg6[%dma_wait3A, %dma_wait3A_53, %dma_wait3A_54] : memref<5x128x128xf32, #tpu.memory_space<vmem>> -> memref<1x128x128xf32, #tpu.memory_space<vmem>>
    %dma_wait3A_56 = tpu.memref_squeeze %dma_wait3A_55 : memref<1x128x128xf32, #tpu.memory_space<vmem>> -> memref<128x128xf32, #tpu.memory_space<vmem>>
    tpu.wait_dma2 semaphore(%arg12 : memref<!tpu.dma_semaphore, #tpu.memory_space<semaphore_mem>>) src(%dma_wait3A_56 : memref<128x128xf32, #tpu.memory_space<vmem>>) dst(%dma_wait3A_52 : memref<128x128xf32, #tpu.memory_space<hbm>>)
    %add3A_57 = arith.constant 25088 : i32
    %add3A_58 = arith.addi %mul3A_2, %add3A_57 : i32
    %dma_wait3A_59 = arith.constant 1 : i32
    %dma_wait3A_60 = arith.constant 0 : i32
    %dma_wait3A_61 = arith.constant 0 : i32
    %dma_wait3A_62 = tpu.memref_slice %arg6[%dma_wait3A_59, %dma_wait3A_60, %dma_wait3A_61] : memref<5x128x128xf32, #tpu.memory_space<vmem>> -> memref<1x128x128xf32, #tpu.memory_space<vmem>>
    %dma_wait3A_63 = tpu.memref_squeeze %dma_wait3A_62 : memref<1x128x128xf32, #tpu.memory_space<vmem>> -> memref<128x128xf32, #tpu.memory_space<vmem>>
    %dma_wait3A_64 = arith.constant 0 : i32
    %dma_wait3A_65 = tpu.memref_slice %arg4[%add3A_58, %dma_wait3A_64] : memref<819200x128xf32, #tpu.memory_space<hbm>> -> memref<128x128xf32, #tpu.memory_space<hbm>>
    %dma_wait3A_66 = arith.constant 0 : i32
    %dma_wait3A_67 = tpu.memref_slice %arg4[%add3A_58, %dma_wait3A_66] : memref<819200x128xf32, #tpu.memory_space<hbm>> -> memref<128x128xf32, #tpu.memory_space<hbm>>
    %dma_wait3A_68 = arith.constant 0 : i32
    %dma_wait3A_69 = arith.constant 0 : i32
    %dma_wait3A_70 = tpu.memref_slice %arg6[%dma_wait3A_59, %dma_wait3A_68, %dma_wait3A_69] : memref<5x128x128xf32, #tpu.memory_space<vmem>> -> memref<1x128x128xf32, #tpu.memory_space<vmem>>
    %dma_wait3A_71 = tpu.memref_squeeze %dma_wait3A_70 : memref<1x128x128xf32, #tpu.memory_space<vmem>> -> memref<128x128xf32, #tpu.memory_space<vmem>>
    tpu.wait_dma2 semaphore(%arg13 : memref<!tpu.dma_semaphore, #tpu.memory_space<semaphore_mem>>) src(%dma_wait3A_71 : memref<128x128xf32, #tpu.memory_space<vmem>>) dst(%dma_wait3A_67 : memref<128x128xf32, #tpu.memory_space<hbm>>)
    %add3A_72 = arith.constant 25216 : i32
    %add3A_73 = arith.addi %mul3A_2, %add3A_72 : i32
    %dma_wait3A_74 = arith.constant 2 : i32
    %dma_wait3A_75 = arith.constant 0 : i32
    %dma_wait3A_76 = arith.constant 0 : i32
    %dma_wait3A_77 = tpu.memref_slice %arg6[%dma_wait3A_74, %dma_wait3A_75, %dma_wait3A_76] : memref<5x128x128xf32, #tpu.memory_space<vmem>> -> memref<1x128x128xf32, #tpu.memory_space<vmem>>
    %dma_wait3A_78 = tpu.memref_squeeze %dma_wait3A_77 : memref<1x128x128xf32, #tpu.memory_space<vmem>> -> memref<128x128xf32, #tpu.memory_space<vmem>>
    %dma_wait3A_79 = arith.constant 0 : i32
    %dma_wait3A_80 = tpu.memref_slice %arg4[%add3A_73, %dma_wait3A_79] : memref<819200x128xf32, #tpu.memory_space<hbm>> -> memref<128x128xf32, #tpu.memory_space<hbm>>
    %dma_wait3A_81 = arith.constant 0 : i32
    %dma_wait3A_82 = tpu.memref_slice %arg4[%add3A_73, %dma_wait3A_81] : memref<819200x128xf32, #tpu.memory_space<hbm>> -> memref<128x128xf32, #tpu.memory_space<hbm>>
    %dma_wait3A_83 = arith.constant 0 : i32
    %dma_wait3A_84 = arith.constant 0 : i32
    %dma_wait3A_85 = tpu.memref_slice %arg6[%dma_wait3A_74, %dma_wait3A_83, %dma_wait3A_84] : memref<5x128x128xf32, #tpu.memory_space<vmem>> -> memref<1x128x128xf32, #tpu.memory_space<vmem>>
    %dma_wait3A_86 = tpu.memref_squeeze %dma_wait3A_85 : memref<1x128x128xf32, #tpu.memory_space<vmem>> -> memref<128x128xf32, #tpu.memory_space<vmem>>
    tpu.wait_dma2 semaphore(%arg14 : memref<!tpu.dma_semaphore, #tpu.memory_space<semaphore_mem>>) src(%dma_wait3A_86 : memref<128x128xf32, #tpu.memory_space<vmem>>) dst(%dma_wait3A_82 : memref<128x128xf32, #tpu.memory_space<hbm>>)
    %add3A_87 = arith.constant 25344 : i32
    %add3A_88 = arith.addi %mul3A_2, %add3A_87 : i32
    %dma_wait3A_89 = arith.constant 3 : i32
    %dma_wait3A_90 = arith.constant 0 : i32
    %dma_wait3A_91 = arith.constant 0 : i32
    %dma_wait3A_92 = tpu.memref_slice %arg6[%dma_wait3A_89, %dma_wait3A_90, %dma_wait3A_91] : memref<5x128x128xf32, #tpu.memory_space<vmem>> -> memref<1x128x128xf32, #tpu.memory_space<vmem>>
    %dma_wait3A_93 = tpu.memref_squeeze %dma_wait3A_92 : memref<1x128x128xf32, #tpu.memory_space<vmem>> -> memref<128x128xf32, #tpu.memory_space<vmem>>
    %dma_wait3A_94 = arith.constant 0 : i32
    %dma_wait3A_95 = tpu.memref_slice %arg4[%add3A_88, %dma_wait3A_94] : memref<819200x128xf32, #tpu.memory_space<hbm>> -> memref<128x128xf32, #tpu.memory_space<hbm>>
    %dma_wait3A_96 = arith.constant 0 : i32
    %dma_wait3A_97 = tpu.memref_slice %arg4[%add3A_88, %dma_wait3A_96] : memref<819200x128xf32, #tpu.memory_space<hbm>> -> memref<128x128xf32, #tpu.memory_space<hbm>>
    %dma_wait3A_98 = arith.constant 0 : i32
    %dma_wait3A_99 = arith.constant 0 : i32
    %dma_wait3A_100 = tpu.memref_slice %arg6[%dma_wait3A_89, %dma_wait3A_98, %dma_wait3A_99] : memref<5x128x128xf32, #tpu.memory_space<vmem>> -> memref<1x128x128xf32, #tpu.memory_space<vmem>>
    %dma_wait3A_101 = tpu.memref_squeeze %dma_wait3A_100 : memref<1x128x128xf32, #tpu.memory_space<vmem>> -> memref<128x128xf32, #tpu.memory_space<vmem>>
    tpu.wait_dma2 semaphore(%arg15 : memref<!tpu.dma_semaphore, #tpu.memory_space<semaphore_mem>>) src(%dma_wait3A_101 : memref<128x128xf32, #tpu.memory_space<vmem>>) dst(%dma_wait3A_97 : memref<128x128xf32, #tpu.memory_space<hbm>>)
    %add3A_102 = arith.constant 25472 : i32
    %add3A_103 = arith.addi %mul3A_2, %add3A_102 : i32
    %dma_wait3A_104 = arith.constant 4 : i32
    %dma_wait3A_105 = arith.constant 0 : i32
    %dma_wait3A_106 = arith.constant 0 : i32
    %dma_wait3A_107 = tpu.memref_slice %arg6[%dma_wait3A_104, %dma_wait3A_105, %dma_wait3A_106] : memref<5x128x128xf32, #tpu.memory_space<vmem>> -> memref<1x128x128xf32, #tpu.memory_space<vmem>>
    %dma_wait3A_108 = tpu.memref_squeeze %dma_wait3A_107 : memref<1x128x128xf32, #tpu.memory_space<vmem>> -> memref<128x128xf32, #tpu.memory_space<vmem>>
    %dma_wait3A_109 = arith.constant 0 : i32
    %dma_wait3A_110 = tpu.memref_slice %arg4[%add3A_103, %dma_wait3A_109] : memref<819200x128xf32, #tpu.memory_space<hbm>> -> memref<128x128xf32, #tpu.memory_space<hbm>>
    %dma_wait3A_111 = arith.constant 0 : i32
    %dma_wait3A_112 = tpu.memref_slice %arg4[%add3A_103, %dma_wait3A_111] : memref<819200x128xf32, #tpu.memory_space<hbm>> -> memref<128x128xf32, #tpu.memory_space<hbm>>
    %dma_wait3A_113 = arith.constant 0 : i32
    %dma_wait3A_114 = arith.constant 0 : i32
    %dma_wait3A_115 = tpu.memref_slice %arg6[%dma_wait3A_104, %dma_wait3A_113, %dma_wait3A_114] : memref<5x128x128xf32, #tpu.memory_space<vmem>> -> memref<1x128x128xf32, #tpu.memory_space<vmem>>
    %dma_wait3A_116 = tpu.memref_squeeze %dma_wait3A_115 : memref<1x128x128xf32, #tpu.memory_space<vmem>> -> memref<128x128xf32, #tpu.memory_space<vmem>>
    tpu.wait_dma2 semaphore(%arg16 : memref<!tpu.dma_semaphore, #tpu.memory_space<semaphore_mem>>) src(%dma_wait3A_116 : memref<128x128xf32, #tpu.memory_space<vmem>>) dst(%dma_wait3A_112 : memref<128x128xf32, #tpu.memory_space<hbm>>)
    return
  }
}

</mosaic_0001>

<sc_bundles>
// kernel: kernel.3.cloned.1.call-start
scs
__scs_entry_jumppad:
0x0: {  	(pc) =	sbr.rel $0x88, $3  }
0x1: {  	(tag) =	ssettag $0x0;
	lr =	simm.s32 $0x1  }
0x2: {  	[smem:$0x3F9F] =	sst lr;
	_ =	strace $0xD0000000  }
0x3: {  	_ = 	snop  }
0x4: {  	_ = 	snop  }
0x5: {  	_ = 	snop  }
0x6: {  	_ = 	snop  }
0x7: {  	_ = 	snop  }
__scs_overlays_trampoline_lowered:
0x8: {  	[smem:$0x3FAE] =	sst s0  }
0x9: {  	[smem:$0x3FAF] =	sst s1  }
0xa: {  	[smem:$0x3FB0] =	sst s2  }
0xb: {  	[smem:$0x3FB1] =	sst s3  }
0xc: {  	[smem:$0x3FB2] =	sst s4  }
0xd: {  	[smem:$0x3FB3] =	sst s5  }
0xe: {  	[smem:$0x3FB4] =	sst s6  }
0xf: {  	[smem:$0x3FB5] =	sst s7  }
0x10: {  	[smem:$0x3FB6] =	sst s8  }
0x11: {  	[smem:$0x3FB7] =	sst s9;
	s0 =	simm.s32 @!p0 $0x0  }
0x12: {  	s1 =	sld [smem:$0x3F9D];
	s0 =	simm.s32 @p0 $0x1  }
0x13: {  	[smem:$0x3FB8] =	sst s0;
	s0 =	simm.s32 @!p1 $0x0  }
0x14: {  	s2 =	sld [smem:$0x3F9C];
	s0 =	simm.s32 @p1 $0x1  }
0x15: {  	[smem:$0x3FB9] =	sst s0;
	s0 =	simm.s32 @!p2 $0x0  }
0x16: {  	s3 =	sld [smem:$0x3FDB];
	s0 =	simm.s32 @p2 $0x1  }
0x17: {  	s4 =	simm.s32 $0x1BF5;
	[smem:$0x3FBB] =	sst s0  }
0x18: {  	s0 =	sld [smem:$0x3F9E];
	_ =	swait.ge [sflag:s4], $0x0  }
0x19: {  	s7 =	sld [smem:$0x3F9F]  }
0x1a: {  	s8 =	sadd.s32 $0xFFFFE003, lr  }
0x1b: {  	s9 =	sadd.s32 $0xFFFFFEF7, lr;
	s5 =	simm.s32 $0xFFFFFFFF;
	p2 =	slt.u32 s8, $0xFFFFF086  }
0x1c: {  	p1 =	slt.u32 s9, $0xF7A;
	s5 =	simm.s32 @!p2 $0x0  }
0x1d: {  	s5 =	simm.s32 @p1 $0x1;
	p0 =	seq.s32 s7, s2  }
0x1e: {  	s7 =	smul.u32 @!p0 $0xF7A, s2;
	p2 =	seq.s32 @!p0 s5, $0x0  }
0x1f: {  	s9 =	smul.u32 $0xF7A, s1;
	s8 =	simm.s32 @!p0 $0x1BF5;
	p2 =	por !p2, p0  }
0x20: {  	[sflag:s8] =	ssyncset.s32 @!p0 $0xFFFFF086;
	s6 =	sadd.s32 @!p0 s3, s7;
	s7 =	simm.s32 @!p0 $0x108  }
0x21: {  	s3 =	sadd.s32 s3, s9;
	s6 =	sadd.s32 @!p0 $0x88, s6;
	s7 =	simm.s32 @p2 $0x1082  }
0x22: {  	[simem:s7], [sflag:s8] =	dma.local @!p0 [hbm:s6], $0xF7A  }
0x23: {  	s9 =	sor.u32 $0xD0000000, s2;
	s6 =	simm.s32 $0x108;
	_ =	swait.ge @!p0 [sflag:s8], $0x0  }
0x24: {  	s3 =	sadd.s32 $0x88, s3;
	s6 =	simm.s32 @!p1 $0x1082;
	[sflag:s4] =	ssyncset.s32 $0xFFFFF086  }
0x25: {  	[simem:s6], [sflag:s4] =	dma.local [hbm:s3], $0xF7A  }
0x26: {  	[smem:$0x3F9F] =	sst s1;
	(tag) =	ssettag s2;
	_ =	strace s9  }
0x27: {  	s1 =	sld [smem:$0x3FAF]  }
0x28: {  	s2 =	sld [smem:$0x3FB0]  }
0x29: {  	s4 =	sld [smem:$0x3FB2]  }
0x2a: {  	p0 =	seq.s32 s5, $0x0;
	s5 =	sld [smem:$0x3FB3]  }
0x2b: {  	s6 =	sld [smem:$0x3FB4]  }
0x2c: {  	s7 =	sld [smem:$0x3FB5]  }
0x2d: {  	s3 =	simm.s32 $0x108;
	s8 =	sld [smem:$0x3FB6]  }
0x2e: {  	s3 =	simm.s32 @!p0 $0x1082;
	s9 =	sld [smem:$0x3FB7]  }
0x2f: {  	lr =	sadd.s32 s0, s3;
	s0 =	sld [smem:$0x3FAE]  }
0x30: {  	s3 =	sld [smem:$0x3FB1]  }
0x31: {  	[smem:$0x3FBA] =	sst s10  }
0x32: {  	s10 =	sld [smem:$0x3FB8];
	_ =	sdelay $0x3  }
0x33: {  	p0 =	seq.s32 s10, $0x1;
	s10 =	sld [smem:$0x3FBA];
	_ =	sdelay $0x3  }
0x34: {  	[smem:$0x3FBA] =	sst s10  }
0x35: {  	s10 =	sld [smem:$0x3FB9];
	_ =	sdelay $0x3  }
0x36: {  	p1 =	seq.s32 s10, $0x1;
	s10 =	sld [smem:$0x3FBA];
	_ =	sdelay $0x3  }
0x37: {  	[smem:$0x3FBA] =	sst s10  }
0x38: {  	s10 =	sld [smem:$0x3FBB]  }
0x39: {  	_ = 	snop;
	(pc) =	sbr.ind lr, $3  }
0x3a: {  	_ = 	snop  }
0x3b: {  	_ = 	snop  }
0x3c: {  	p2 =	seq.s32 s10, $0x1;
	s10 =	sld [smem:$0x3FBA]  }
0x3d: {  	_ =	shalt  }
0x3e: {  	_ =	shalt  }
0x3f: {  	_ =	shalt  }
0x40: {  	_ =	shalt  }
0x41: {  	_ =	shalt  }
0x42: {  	_ =	shalt  }
0x43: {  	_ =	shalt  }
0x44: {  	_ =	shalt  }
0x45: {  	_ =	shalt  }
0x46: {  	_ =	shalt  }
0x47: {  	_ =	shalt  }
0x48: {  	_ =	shalt  }
0x49: {  	_ =	shalt  }
0x4a: {  	_ =	shalt  }
0x4b: {  	_ =	shalt  }
0x4c: {  	_ =	shalt  }
0x4d: {  	_ =	shalt  }
0x4e: {  	_ =	shalt  }
0x4f: {  	_ =	shalt  }
0x50: {  	_ =	shalt  }
0x51: {  	_ =	shalt  }
0x52: {  	_ =	shalt  }
0x53: {  	_ =	shalt  }
0x54: {  	_ =	shalt  }
0x55: {  	_ =	shalt  }
0x56: {  	_ =	shalt  }
0x57: {  	_ =	shalt  }
0x58: {  	_ =	shalt  }
0x59: {  	_ =	shalt  }
0x5a: {  	_ =	shalt  }
0x5b: {  	_ =	shalt  }
0x5c: {  	_ =	shalt  }
0x5d: {  	_ =	shalt  }
0x5e: {  	_ =	shalt  }
0x5f: {  	_ =	shalt  }
0x60: {  	_ =	shalt  }
0x61: {  	_ =	shalt  }
0x62: {  	_ =	shalt  }
0x63: {  	_ =	shalt  }
0x64: {  	_ =	shalt  }
0x65: {  	_ =	shalt  }
0x66: {  	_ =	shalt  }
0x67: {  	_ =	shalt  }
0x68: {  	_ =	shalt  }
0x69: {  	_ =	shalt  }
0x6a: {  	_ =	shalt  }
0x6b: {  	_ =	shalt  }
0x6c: {  	_ =	shalt  }
0x6d: {  	_ =	shalt  }
0x6e: {  	_ =	shalt  }
0x6f: {  	_ =	shalt  }
0x70: {  	_ =	shalt  }
0x71: {  	_ =	shalt  }
0x72: {  	_ =	shalt  }
0x73: {  	_ =	shalt  }
0x74: {  	_ =	shalt  }
0x75: {  	_ =	shalt  }
0x76: {  	_ =	shalt  }
0x77: {  	_ =	shalt  }
0x78: {  	_ =	shalt  }
0x79: {  	_ =	shalt  }
0x7a: {  	_ =	shalt  }
0x7b: {  	_ =	shalt  }
0x7c: {  	_ =	shalt  }
0x7d: {  	_ =	shalt  }
0x7e: {  	_ =	shalt  }
0x7f: {  	_ =	shalt  }
0x80: {  	_ =	shalt  }
0x81: {  	_ =	shalt  }
0x82: {  	_ =	shalt  }
0x83: {  	_ =	shalt  }
0x84: {  	_ =	shalt  }
0x85: {  	_ =	shalt  }
0x86: {  	_ =	shalt  }
0x87: {  	_ =	shalt  }
.Lfunc_end0:
.L_simem_size_0:
called_computation_lowered:
.L_overlay_start_0:
0x88: {  	s2 =	sld [smem:$0x3FD9]  }
0x89: {  	s3 =	sld [smem:$0x3FFE];
	_ =	sdelay $0x1  }
0x8a: {  	s1 =	srdreg.scid  }
0x8b: {  	s0 =	sand.u32 $0x1, s1  }
0x8c: {  	s17 =	sshll.u32 s0, $0xA;
	s2 =	sadd.s32 s3, s2  }
0x8d: {  	s2 =	sadd.s32 s2, s17  }
0x8e: {  	[smem:$0x3FC6] =	sst s2  }
0x8f: {  	_ = 	snop  }
0x90: {  	s2 =	sld [smem:$0x3FC8]  }
0x91: {  	s18 =	sld [smem:$0x3FD0];
	(tm) =	ssettm $0x1  }
0x92: {  	s4 =	sld [smem:$0x3FFB];
	_ =	sdelay $0x3  }
0x93: {  	_ =	strace s4  }
0x94: {  	s4 =	sld [smem:$0x3FFC];
	_ =	sdelay $0x3  }
0x95: {  	_ =	strace s4  }
0x96: {  	s4 =	sld [smem:$0x3FFD];
	_ =	sdelay $0x3  }
0x97: {  	_ =	strace s4  }
0x98: {  	_ =	strace $0x8FFFFFFF  }
0x99: {  	s19 =	sld [smem:$0x3FDB];
	_ =	sdelay $0x1  }
0x9a: {  	s5 =	simm.s32 $_scs_section_size  }
0x9b: {  	s6 =	simm.s32 $_size__tile_overlayer_lowered;
	s7 =	simm.s32 $_tile_overlayer_lowered  }
0x9c: {  	s22 =	simm.s32 $0x1BFF;
	s21 =	sshll.u32 s7, $0x1;
	s4 =	sadd.s32 s5, s19  }
0x9d: {  	s8 =	simm.s32 $0x0;
	s20 =	sshll.u32 s6, $0x1;
	s6 =	sadd.s32 s21, s4  }
0x9e: {  	[timem:s8], [sflag:s22] =	dma.local [hbm:s6], s20  }
0x9f: {  	_ =	swait.ge [sflag:s22], s20  }
0xa0: {  	s5 =	ssub.s32 $0x0, s20;
	[sflag:s22] =	ssyncset.done $0x0  }
0xa1: {  	[sflag:s22] =	ssyncadd.s32 s5;
	_ =	sdelay $0x1  }
0xa2: {  	s23 =	simm.s32 $0x1B8B  }
0xa3: {  	_ =	swait.ge [sflag:s23], $0x1  }
0xa4: {  	[sflag:s23] =	ssyncset.done $0x0  }
0xa5: {  	s25 =	simm.s32 $0x1B8E;
	s24 =	sld [smem:$0x3FFE];
	[sflag:s23] =	ssyncadd.s32 $0xFFFFFFFF  }
0xa6: {  	s26 =	simm.s32 $execute0_lowered;
	[smem:$0x3FD2] =	sst s25  }
0xa7: {  	s6 =	sshll.u32 s26, $0x1;
	_ =	strace $0x80000046;
	[dreg:$0x1] =	wrdreg $0xFFFFFFFF  }
0xa8: {  	s28 =	simm.s32 $_size_execute0_lowered;
	s4 =	sadd.s32 s4, s6;
	[dreg:$0x0] =	wrdreg $0x0  }
0xa9: {  	s6 =	sshll.u32 s28, $0x1;
	[dreg:$0x2] =	wrdreg s4  }
0xaa: {  	[dreg:$0x3] =	wrdreg s6  }
0xab: {  	[dreg:$0x4] =	wrdreg $0xC0  }
0xac: {  	_ =	task [dreg:s8], $0x5FFFF  }
0xad: {  	[dreg:$0x1] =	wrdreg $0xFFFFFFFF  }
0xae: {  	[dreg:$0x0] =	wrdreg $0x60  }
0xaf: {  	[dreg:$0x2] =	wrdreg s24  }
0xb0: {  	[dreg:$0x3] =	wrdreg s2  }
0xb1: {  	[dreg:$0x4] =	wrdreg s18  }
0xb2: {  	[dreg:$0x5] =	wrdreg $0x9  }
0xb3: {  	_ =	task.clear_ibuf [dreg:s8], $0x6FFFF;
	_ =	strace $0x90000046  }
0xb4: {  	s29 =	simm.s32 $0x9;
	_ =	strace $0x80000048  }
0xb5: {  	_ =	swait.ge [sflag:s29], $0x1  }
0xb6: {  	[sflag:s29] =	ssyncadd.s32 $0xFFFFFFFF  }
0xb7: {  	_ =	strace $0x90000048  }
0xb8: {  	_ =	sfence  }
0xb9: {  	s30 =	sld [smem:$0x0];
	_ =	sdelay $0x2  }
0xba: {  	s31 =	sshll.u32 s1, $0xD;
	s1 =	sshrl.u32 s1, $0x2  }
0xbb: {  	s3 =	sand.u32 $0x4000, s31;
	s1 =	sadd.s32 s1, s30  }
0xbc: {  	s0 =	sor.u32 s3, s0;
	s1 =	sshll.u32 s1, $0x11  }
0xbd: {  	s0 =	sor.u32 s1, s0  }
0xbe: {  	s0 =	sadd.s32 $0x8F2B, s0  }
0xbf: {  	[sflag:s0] =	ssyncadd.remote.s32 $0x1  }
0xc0: {  	_ =	sfence.sel $0xFFFF  }
0xc1: {  	[dreg:$0x0] =	wrdreg $0xFFFFFFFF;
	(pc) =	sbr.abs _section_cstart, $3  }
0xc2: {  	[dreg:$0x1] =	wrdreg $0xFFFFFFFF  }
0xc3: {  	_ =	task.clear_ibuf [dreg:s8], $0x2FFFF;
	_ =	strace $0x9FFFFFFF  }
0xc4: {  	(tm) =	ssettm $0x7FFFFFFF  }
0xc5: {  	_ =	shalt  }
tec
execute0_lowered:
.L_overlay_start_1:
0x0: {  	(tag) =	ssettag $0x1  }
0x1: {  	s0 =	rddreg [dreg:$0x0];
	s1 =	srdreg.scid  }
0x2: {  	s9 =	stileid.u32;
	s2 =	rddreg [dreg:$0x1]  }
0x3: {  	s4 =	rddreg [dreg:$0x2];
	s11 =	simm.s32 $0xB;
	s12 =	simm.s32 $0x80  }
0x4: {  	s13 =	simm.s32 $0x6400;
	s14 =	simm.s32 $0xA400;
	s16 =	simm.s32 $0xE400  }
0x5: {  	s28 =	simm.s32 $0x9;
	s29 =	simm.s32 $0xA;
	s6 =	smul.u32 $0x640000, s9  }
0x6: {  	s1 =	sand.u32 $0x1, s1;
	s3 =	sshll.u32 s9, $0x1;
	s18 =	smul.u32 $0xC8000, s9  }
0x7: {  	s30 =	simm.s32 $0x0;
	s5 =	sor.u32 s1, s3;
	s8 =	smul.u32 $0x320000, s1  }
0x8: {  	s3 =	simm.s32 $0x0;
	s7 =	ssub.s32 $0x2, s1;
	s19 =	smul.u32 $0x64000, s1  }
0x9: {  	s5 =	smul.u32 $0x6400, s5;
	[smem:$0x7FF] =	sst s3;
	s17 =	sshrl.u32 s7, $0x1  }
0xa: {  	s21 =	sadd.s32 s18, s4;
	s18 =	simm.s32 $0x12400;
	s6 =	sadd.s32 s8, s6  }
0xb: {  	_ =	strace $0x80000047;
	s5 =	sshrl.u32 s5, $0x3;
	s20 =	sor.u32 $0x10000, s6  }
0xc: {  	s23 =	sor.u32 $0xC000, s6;
	s24 =	sor.u32 $0x8000, s6;
	s25 =	sor.u32 $0x4000, s6  }
0xd: {  	s0 =	sadd.s32 s5, s0;
	s5 =	ssub.s32 s7, s17;
	s1 =	sshrl.u32 s20, $0x3  }
0xe: {  	s17 =	simm.s32 $0x1;
	s20 =	simm.s32 $0x16400;
	s0 =	sadd.s32 $0x400, s0  }
0xf: {  	s5 =	smax.u32 s5, $0x1;
	s22 =	sadd.s32 s1, s4;
	[dreg:$0x4] =	wrdreg s0  }
0x10: {  	s1 =	sshrl.u32 s24, $0x3;
	s24 =	simm.s32 $0x6;
	[dreg:$0x5] =	wrdreg s5  }
0x11: {  	s0 =	sadd.s32 s19, s21;
	[dreg:$0x7] =	wrdreg s22;
	s5 =	sshrl.u32 s25, $0x3  }
.Ltmp0:
0x12: {  	s26 =	sadd.s32 s1, s4;
	s19 =	simm.s32 $0x2;
	(pc) =	sbr.rel .LBB2_1-.Ltmp0, $4  }
0x13: {  	s21 =	simm.s32 $0x3;
	s22 =	simm.s32 $0x4;
	[dreg:$0x6] =	wrdreg s0  }
0x14: {  	s0 =	sshrl.u32 s23, $0x3;
	[dreg:$0x9] =	wrdreg s26;
	s31 =	sadd.s32 s5, s4  }
0x15: {  	s25 =	simm.s32 $0x7;
	s0 =	sadd.s32 s0, s4;
	[dreg:$0xa] =	wrdreg s31  }
0x16: {  	s23 =	simm.s32 $0x5;
	s26 =	simm.s32 $0x8;
	[dreg:$0x8] =	wrdreg s0  }
.LBB2_4:
0x17: {  	_ =	swait.ge [sflag:s24], $0x4000  }
0x18: {  	[sflag:s24] =	ssyncset.done $0x0  }
0x19: {  	[sflag:s24] =	ssyncadd.s32 $0xFFFFC000  }
0x1a: {  	_ =	swait.ge [sflag:s25], $0x4000  }
0x1b: {  	[sflag:s25] =	ssyncset.done $0x0  }
0x1c: {  	[sflag:s25] =	ssyncadd.s32 $0xFFFFC000  }
0x1d: {  	_ =	swait.ge [sflag:s26], $0x4000  }
0x1e: {  	[sflag:s26] =	ssyncset.done $0x0  }
0x1f: {  	[sflag:s26] =	ssyncadd.s32 $0xFFFFC000  }
0x20: {  	_ =	swait.ge [sflag:s28], $0x4000  }
0x21: {  	[sflag:s28] =	ssyncset.done $0x0  }
0x22: {  	[sflag:s28] =	ssyncadd.s32 $0xFFFFC000  }
0x23: {  	_ =	swait.ge [sflag:s29], $0x4000  }
0x24: {  	s30 =	sadd.s32 $0x1, s30;
	s0 =	rddreg [dreg:$0x5]  }
0x25: {  	p0 =	sne.s32 s30, s0  }
.Ltmp1:
0x26: {  	_ = 	snop;
	(pc) =	sbr.rel @!p0 .LBB2_5-.Ltmp1, $3  }
0x27: {  	_ =	sdelay $0x1  }
0x28: {  	[sflag:s29] =	ssyncset.done $0x0  }
0x29: {  	[sflag:s29] =	ssyncadd.s32 $0xFFFFC000  }
.LBB2_1:
0x2a: {  	s0 =	rddreg [dreg:$0x4]  }
0x2b: {  	[tilespmem:s3], [sflag:$0xB] =	stream.linear.gather [hbm4b:s0+s3], $0x6400, $0x38;
	[tilespmem:$0x1A400] =	vst v63  }
0x2c: {  	_ =	swait.ge [sflag:s11], $0x6400  }
0x2d: {  	s31 =	rddreg [dreg:$0xa]  }
0x2e: {  	[sflag:s11] =	ssyncset.done $0x0;
	s9 =	rddreg [dreg:$0x9]  }
0x2f: {  	s8 =	rddreg [dreg:$0x8];
	[sflag:s11] =	ssyncadd.s32 $0xFFFF9C00  }
0x30: {  	[tilespmem:s13], [sflag:$0x1] =	stream.indirect.gather [hbm4b:s2+s12], $0x80, s3, s12, $0xb8;
	[tilespmem:$0x1A400] =	vst v63  }
0x31: {  	s7 =	rddreg [dreg:$0x7]  }
0x32: {  	[tilespmem:s14], [sflag:$0x2] =	stream.indirect.gather [hbm4b:s2+s12], $0x80, s12, s12, $0xb8;
	[tilespmem:$0x1A400] =	vst v63  }
0x33: {  	s15 =	simm.s32 $0x100;
	s5 =	simm.s32 $0x0;
	s6 =	rddreg [dreg:$0x6]  }
0x34: {  	[tilespmem:s16], [sflag:$0x3] =	stream.indirect.gather [hbm4b:s2+s12], $0x80, s15, s12, $0xb8;
	[tilespmem:$0x1A400] =	vst v63  }
.LBB2_2:
0x35: {  	_ =	swait.ge [sflag:s17], $0x4000  }
0x36: {  	p0 =	seq.s32 s5, $0x0;
	[sflag:s17] =	ssyncset.done $0x0  }
0x37: {  	s15 =	simm.s32 @!p0 $0x9;
	[sflag:s17] =	ssyncadd.s32 $0xFFFFC000  }
0x38: {  	[hbm4b:s6+s3] =	stream.linear.scatter [tilespmem:s13], [sflag:$0x6], $0x4000, $0x38;
	[tilespmem:$0x1A400] =	vst v63  }
0x39: {  	_ =	swait.ge @!p0 [sflag:s15], $0x4000  }
0x3a: {  	s4 =	sshra.s32 s5, $0x2;
	[sflag:s15] =	ssyncset.done @!p0 $0x0  }
0x3b: {  	s1 =	sadd.s32 $0x180, s4;
	[sflag:s15] =	ssyncadd.s32 @!p0 $0xFFFFC000  }
0x3c: {  	[tilespmem:s18], [sflag:$0x4] =	stream.indirect.gather [hbm4b:s2+s12], $0x80, s1, s12, $0xb8;
	[tilespmem:$0x1A400] =	vst v63  }
0x3d: {  	_ =	swait.ge [sflag:s19], $0x4000  }
0x3e: {  	[sflag:s19] =	ssyncset.done $0x0  }
0x3f: {  	s15 =	simm.s32 @!p0 $0xA;
	[sflag:s19] =	ssyncadd.s32 $0xFFFFC000  }
0x40: {  	[hbm4b:s31+s3] =	stream.linear.scatter [tilespmem:s14], [sflag:$0x7], $0x4000, $0x38;
	[tilespmem:$0x1A400] =	vst v63  }
0x41: {  	_ =	swait.ge @!p0 [sflag:s15], $0x4000  }
0x42: {  	[sflag:s15] =	ssyncset.done @!p0 $0x0  }
0x43: {  	s10 =	sadd.s32 $0x200, s4;
	[sflag:s15] =	ssyncadd.s32 @!p0 $0xFFFFC000  }
0x44: {  	[tilespmem:s20], [sflag:$0x5] =	stream.indirect.gather [hbm4b:s2+s12], $0x80, s10, s12, $0xb8;
	[tilespmem:$0x1A400] =	vst v63  }
0x45: {  	_ =	swait.ge [sflag:s21], $0x4000  }
0x46: {  	p0 =	seq.s32 s5, $0x18600;
	[sflag:s21] =	ssyncset.done $0x0  }
0x47: {  	s15 =	simm.s32 @!p0 $0x6;
	[sflag:s21] =	ssyncadd.s32 $0xFFFFC000  }
0x48: {  	[hbm4b:s9+s3] =	stream.linear.scatter [tilespmem:s16], [sflag:$0x8], $0x4000, $0x38;
	[tilespmem:$0x1A400] =	vst v63  }
0x49: {  	_ =	swait.ge @!p0 [sflag:s15], $0x4000  }
0x4a: {  	[sflag:s15] =	ssyncset.done @!p0 $0x0  }
0x4b: {  	[sflag:s15] =	ssyncadd.s32 @!p0 $0xFFFFC000;
	s15 =	sshra.s32 @!p0 s5, $0x2  }
0x4c: {  	s1 =	simm.s32 @!p0 $0x80;
	s10 =	simm.s32 @!p0 $0x6400;
	s0 =	sadd.s32 @!p0 $0x280, s15  }
0x4d: {  	[tilespmem:s10], [sflag:$0x1] =	stream.indirect.gather @!p0 [hbm4b:s2+s1], $0x80, s0, s1, $0xb8;
	[tilespmem:$0x1A400] =	vst v63  }
0x4e: {  	_ =	swait.ge [sflag:s22], $0x4000  }
0x4f: {  	[sflag:s22] =	ssyncset.done $0x0  }
0x50: {  	s0 =	simm.s32 @!p0 $0x7;
	[sflag:s22] =	ssyncadd.s32 $0xFFFFC000  }
0x51: {  	[hbm4b:s8+s3] =	stream.linear.scatter [tilespmem:s18], [sflag:$0x9], $0x4000, $0x38;
	[tilespmem:$0x1A400] =	vst v63  }
0x52: {  	_ =	swait.ge @!p0 [sflag:s0], $0x4000  }
0x53: {  	[sflag:s0] =	ssyncset.done @!p0 $0x0  }
0x54: {  	s10 =	simm.s32 @!p0 $0xA400;
	[sflag:s0] =	ssyncadd.s32 @!p0 $0xFFFFC000;
	s0 =	sadd.s32 @!p0 $0x300, s15  }
0x55: {  	[tilespmem:s10], [sflag:$0x2] =	stream.indirect.gather @!p0 [hbm4b:s2+s1], $0x80, s0, s1, $0xb8;
	[tilespmem:$0x1A400] =	vst v63  }
.Ltmp2:
0x56: {  	_ = 	snop;
	(pc) =	sbr.rel @p0 .LBB2_4-.Ltmp2, $4  }
0x57: {  	_ =	swait.ge [sflag:s23], $0x4000  }
0x58: {  	[sflag:s23] =	ssyncset.done $0x0  }
0x59: {  	[sflag:s23] =	ssyncadd.s32 $0xFFFFC000  }
0x5a: {  	[hbm4b:s7+s3] =	stream.linear.scatter [tilespmem:s20], [sflag:$0xA], $0x4000, $0x38;
	[tilespmem:$0x1A400] =	vst v63  }
.Ltmp3:
0x5b: {  	_ =	swait.ge [sflag:s26], $0x4000;
	(pc) =	sbr.rel .LBB2_2-.Ltmp3, $4  }
0x5c: {  	s0 =	sadd.s32 $0x380, s4;
	s5 =	sadd.s32 $0xA00, s5;
	s6 =	sadd.s32 $0x2800, s6  }
0x5d: {  	s7 =	sadd.s32 $0x2800, s7;
	s8 =	sadd.s32 $0x2800, s8;
	[sflag:s26] =	ssyncset.done $0x0  }
0x5e: {  	s9 =	sadd.s32 $0x2800, s9;
	s31 =	sadd.s32 $0x2800, s31;
	[sflag:s26] =	ssyncadd.s32 $0xFFFFC000  }
0x5f: {  	[tilespmem:s16], [sflag:$0x3] =	stream.indirect.gather [hbm4b:s2+s12], $0x80, s0, s12, $0xb8;
	[tilespmem:$0x1A400] =	vst v63  }
.LBB2_5:
0x60: {  	_ =	sfence.sel $0x180000  }
0x61: {  	[bflag:$0x0] =	sbarrier.arrive $0xFFFF  }
0x62: {  	_ =	strace $0x90000047  }
0x63: {  	s0 =	stileid.u32;
	[bflag:$0x2] =	sbarrier.arrive $0xFFFF  }
0x64: {  	p0 =	sne.s32 s0, $0x0;
	s0 =	rddreg [dreg:$0x3]  }
0x65: {  	s0 =	sadd.s32 @!p0 $0x100000, s0  }
0x66: {  	[sflag:s0] =	ssyncadd.tile.s32 @!p0 $0x1;
	_ =	shalt  }
.Lfunc_end2:
_tile_overlayer_lowered:
.L_overlay_start_2:
0x67: {  	(tag) =	ssettag $0x2  }
0x68: {  	s0 =	rddreg [dreg:$0x0];
	s2 =	stileid.u32  }
0x69: {  	s1 =	rddreg [dreg:$0x1];
	p0 =	sne.s32 s2, $0x0  }
0x6a: {  	s3 =	rddreg [dreg:$0x2];
	[bflag:$0x3] =	sbarrier.arrive $0xFFFF;
	s2 =	simm.s32 @!p0 $0x1C0B  }
0x6b: {  	[timem:s3], [sflag:s2] =	dma.local @!p0 [hbm:s0], s1  }
0x6c: {  	s0 =	simm.s32 @!p0 $0xB  }
0x6d: {  	_ =	swait.ge @!p0 [sflag:s0], s1  }
0x6e: {  	s1 =	ssub.s32 @!p0 $0x0, s1;
	[sflag:s0] =	ssyncset.done @!p0 $0x0  }
0x6f: {  	[sflag:s0] =	ssyncadd.s32 @!p0 s1  }
0x70: {  	[bflag:$0x3] =	sbarrier.arrive $0xFFFF  }
0x71: {  	_ =	shalt  }

</sc_bundles>
